<compile_context>
chip_gen: v7x
topology: tpu7x:2x2x1
jax: 0.10.2.dev20260603
libtpu: 0.0.44.dev20260713+nightly
codegen_flags: <defaults>
</compile_context>

<pallas_src>
import jax
import jax.numpy as jnp
from jax import lax
from jax.experimental import pallas as pl
from jax.experimental.pallas import tpu as pltpu
from jax.experimental.pallas import tpu_sc as plsc

RADIUS2 = 0.2 ** 2
N_PTS = 16384
N_CTR = 1024
N_BATCH = 4
K_OUT = 32
NUM_CORES = 2
NUM_SUBCORES = 16
NW = NUM_CORES * NUM_SUBCORES
ROWS_PER_W = (N_BATCH * N_CTR) // NW
W_PER_BATCH = NW // N_BATCH
CHUNKS = N_PTS // 16
UNROLL = 16


STAGE = 512


MASKHI = -65536


def _sc_body(pos_hbm, posb_hbm, pw_hbm, cent_hbm, out_hbm,
             tx_v, ty_v, tz_v, pw_v, pzb_v, p2_v, c2_v,
             cent_v, row_v, out_v):
    wid = lax.axis_index("s") * NUM_CORES + lax.axis_index("c")
    b = wid // W_PER_BATCH
    pbase = b * 3 * N_PTS
    pltpu.sync_copy(pw_hbm.at[pl.ds(b * N_PTS, N_PTS)], pw_v)
    pltpu.sync_copy(posb_hbm.at[pl.ds(pbase + 2 * N_PTS, N_PTS)], pzb_v)
    pltpu.sync_copy(cent_hbm.at[pl.ds(wid * ROWS_PER_W, ROWS_PER_W)], cent_v)

    iota = lax.iota(jnp.int32, 16)

    def stage_blk(t, carry):
        base = t * STAGE
        pltpu.sync_copy(pos_hbm.at[pl.ds(pbase + base, STAGE)], tx_v)
        pltpu.sync_copy(pos_hbm.at[pl.ds(pbase + N_PTS + base, STAGE)], ty_v)
        pltpu.sync_copy(pos_hbm.at[pl.ds(pbase + 2 * N_PTS + base, STAGE)], tz_v)

        def norm_body(k, c):
            px = tx_v[pl.ds(k * 16, 16)]
            py = ty_v[pl.ds(k * 16, 16)]
            pz = tz_v[pl.ds(k * 16, 16)]
            p2_v[pl.ds(base + k * 16, 16)] = (px * px + py * py) + pz * pz
            c2_v[pl.ds(base + k * 16, 16)] = (px * px + pz * pz) + py * py
            return c

        lax.fori_loop(0, STAGE // 16, norm_body, 0)
        return carry

    lax.fori_loop(0, N_PTS // STAGE, stage_blk, 0)

    def load_row(r):
        rsplat = jnp.full((16,), r, jnp.int32)
        cidx = plsc.load_gather(cent_v, [rsplat])
        cw = plsc.load_gather(pw_v, [cidx])
        cx2 = -2.0 * plsc.bitcast(cw & MASKHI, jnp.float32)
        cy2 = -2.0 * plsc.bitcast(cw << 16, jnp.float32)
        cz2 = -2.0 * plsc.load_gather(pzb_v, [cidx])
        c2 = plsc.load_gather(c2_v, [cidx])
        return cx2, cy2, cz2, c2

    def emit_row(r, cnt, roff):
        firstv = plsc.load_gather(row_v, [jnp.full((16,), roff, jnp.int32)])
        firstv = jnp.where(cnt > 0, firstv, jnp.full((16,), N_PTS, jnp.int32))
        cnt_splat = jnp.full((16,), cnt, jnp.int32)
        o0 = jnp.where(iota < cnt_splat, row_v[pl.ds(roff, 16)], firstv)
        o1 = jnp.where(iota + 16 < cnt_splat, row_v[pl.ds(roff + 16, 16)], firstv)
        out_v[pl.ds(r * K_OUT, 16)] = o0
        out_v[pl.ds(r * K_OUT + 16, 16)] = o1

    def row_body(r, carry):
        cx2, cy2, cz2, c2 = load_row(r)

        def cond(state):
            j, cnt = state
            return jnp.logical_and(j < CHUNKS, cnt < K_OUT)

        def block(state):
            j, cnt = state
            masks = []
            for u in range(UNROLL):
                base = (j + u) * 16
                w = pw_v[pl.ds(base, 16)]
                pxb = plsc.bitcast(w & MASKHI, jnp.float32)
                pyb = plsc.bitcast(w << 16, jnp.float32)
                pzb = pzb_v[pl.ds(base, 16)]
                p2 = p2_v[pl.ds(base, 16)]
                d = (((cx2 * pxb + cy2 * pyb) + cz2 * pzb) + c2) + p2
                mask = d <= RADIUS2
                pc = plsc.all_reduce_population_count(mask)
                masks.append((base, mask, pc))
            for base, mask, pc in masks:
                idxv = jnp.full((16,), base, jnp.int32) + iota
                plsc.store_compressed(row_v.at[pl.ds(cnt, 16)], idxv, mask=mask)
                cnt = cnt + pc[0]
            return j + UNROLL, cnt

        _, cnt = lax.while_loop(cond, block, (jnp.int32(0), jnp.int32(0)))
        emit_row(r, cnt, 0)
        return carry

    lax.fori_loop(0, ROWS_PER_W, row_body, 0)
    pltpu.sync_copy(
        out_v, out_hbm.at[pl.ds(wid * ROWS_PER_W * K_OUT, ROWS_PER_W * K_OUT)])


def _make_call():
    return pl.kernel(
        _sc_body,
        out_type=jax.ShapeDtypeStruct((N_BATCH * N_CTR * K_OUT,), jnp.int32),
        name="frnn_sc",
        compiler_params=pltpu.CompilerParams(needs_layout_passes=False),
        mesh=plsc.VectorSubcoreMesh(
            core_axis_name="c", subcore_axis_name="s",
            num_cores=NUM_CORES, num_subcores=NUM_SUBCORES),
        scratch_types=[
            pltpu.VMEM((STAGE,), jnp.float32),
            pltpu.VMEM((STAGE,), jnp.float32),
            pltpu.VMEM((STAGE,), jnp.float32),
            pltpu.VMEM((N_PTS,), jnp.int32),
            pltpu.VMEM((N_PTS,), jnp.float32),
            pltpu.VMEM((N_PTS,), jnp.float32),
            pltpu.VMEM((N_PTS,), jnp.float32),
            pltpu.VMEM((ROWS_PER_W,), jnp.int32),
            pltpu.VMEM((32 + 3 * 16 * UNROLL + 16,), jnp.int32),
            pltpu.VMEM((ROWS_PER_W * K_OUT,), jnp.int32),
        ],
    )


def _round_bf16(x):
    u = jax.lax.bitcast_convert_type(x, jnp.uint32)
    u = (u + jnp.uint32(0x7FFF) + ((u >> jnp.uint32(16)) & jnp.uint32(1)))
    u = u & jnp.uint32(0xFFFF0000)
    return jax.lax.bitcast_convert_type(u, jnp.float32)


def kernel(pos, centroids):
    pos_t = jnp.transpose(pos, (0, 2, 1)).reshape(-1)
    pos_b = _round_bf16(pos_t)
    pb3 = pos_b.reshape(N_BATCH, 3, N_PTS)
    xbits = jax.lax.bitcast_convert_type(pb3[:, 0], jnp.uint32)
    ybits = jax.lax.bitcast_convert_type(pb3[:, 1], jnp.uint32)
    pw = jax.lax.bitcast_convert_type(
        xbits | (ybits >> jnp.uint32(16)), jnp.int32).reshape(-1)
    cent = centroids.reshape(-1).astype(jnp.int32)
    out = _make_call()(pos_t, pos_b, pw, cent)
    return out.reshape(N_BATCH, N_CTR, K_OUT)

# --- scband reference (transcript-rebuilt; emitter-appended) ---
"""Pipeline reference for scband-fixed-radius-near-neighbors-78915729096755 (READ-ONLY COPY).

The authoritative reference and input builder live on the scoring server;
editing this copy changes nothing except your own understanding.
"""

import jax, jax.numpy as jnp
import numpy as np

RADIUS = 0.2
N_NEIGHBOR = 32

def square_distance(src, dst):
    # src: [B, S, C], dst: [B, N, C] -> [B, S, N]
    dist = -2.0 * jnp.matmul(src, jnp.swapaxes(dst, -1, -2))
    dist = dist + jnp.sum(src ** 2, axis=-1)[:, :, None]
    dist = dist + jnp.sum(dst ** 2, axis=-1)[:, None, :]
    return dist

def setup_inputs(seed: int = 0) -> dict:
    key = jax.random.key(seed)
    k1, k2 = jax.random.split(key)
    pos = jax.random.uniform(k1, (4, 16384, 3), dtype=jnp.float32)
    centroids = jax.random.randint(k2, (4, 1024), 0, 16384, dtype=jnp.int64) if jax.config.jax_enable_x64 else jax.random.randint(k2, (4, 1024), 0, 16384, dtype=jnp.int32)
    return {"pos": pos, "centroids": centroids}

def reference(pos, centroids):
    B, N, _ = pos.shape
    S = centroids.shape[1]
    # index_points: gather centroid positions
    center_pos = jnp.take_along_axis(pos, centroids[:, :, None].astype(jnp.int32), axis=1)  # [B, S, 3]
    sqrdists = square_distance(center_pos, pos)  # [B, S, N]
    group_idx = jnp.broadcast_to(jnp.arange(N, dtype=jnp.int32), (B, S, N))
    group_idx = jnp.where(sqrdists > RADIUS ** 2, N, group_idx)
    group_idx = jnp.sort(group_idx, axis=-1)[:, :, :N_NEIGHBOR]
    group_first = group_idx[:, :, 0:1]
    mask = group_idx == N
    group_idx = jnp.where(mask, jnp.broadcast_to(group_first, group_idx.shape), group_idx)
    return group_idx

if __name__ == "__main__":
    import jax
    _d = setup_inputs()
    print(jax.jit(kernel)(*tuple(_d.values())))

</pallas_src>

<mosaic_0001>
#map = affine_map<(d0, d1) -> (0)>
module attributes {stable_mosaic.version = 14 : i64} {
  func.func @frnn_sc(%arg0: i32, %arg1: i32, %arg2: memref<196608xf32, #tpu.memory_space<hbm>>, %arg3: memref<196608xf32, #tpu.memory_space<hbm>>, %arg4: memref<65536xi32, #tpu.memory_space<hbm>>, %arg5: memref<4096xi32, #tpu.memory_space<hbm>>, %arg6: memref<131072xi32, #tpu.memory_space<hbm>>, %arg7: memref<512xf32, #tpu.memory_space<vmem>>, %arg8: memref<512xf32, #tpu.memory_space<vmem>>, %arg9: memref<512xf32, #tpu.memory_space<vmem>>, %arg10: memref<16384xi32, #tpu.memory_space<vmem>>, %arg11: memref<16384xf32, #tpu.memory_space<vmem>>, %arg12: memref<16384xf32, #tpu.memory_space<vmem>>, %arg13: memref<16384xf32, #tpu.memory_space<vmem>>, %arg14: memref<128xi32, #tpu.memory_space<vmem>>, %arg15: memref<816xi32, #tpu.memory_space<vmem>>, %arg16: memref<4096xi32, #tpu.memory_space<vmem>>) attributes {dimension_semantics = [#tpu.dimension_semantics<core_parallel>, #tpu.dimension_semantics<subcore_parallel>], iteration_bounds = array<i64: 2, 16>, scalar_prefetch = 0 : i64, scratch_operands = 10 : i64, tpu.core_type = #tpu.core_type<sc_vector_subcore>, window_params = [{transform_indices = #map}, {transform_indices = #map}, {transform_indices = #map}, {transform_indices = #map}, {transform_indices = #map}]} {
    %mul3A = arith.constant 2 : i32
    %mul3A_0 = arith.muli %arg1, %mul3A : i32
    %add3A = arith.addi %mul3A_0, %arg0 : i32
    %jit3A = arith.constant 8 : i32
    %div3A = arith.divsi %add3A, %jit3A : i32
    %sign3A = arith.constant 0 : i32
    %sign3A_1 = arith.cmpi sgt, %add3A, %sign3A : i32
    %sign3A_2 = arith.extui %sign3A_1 : i1 to i32
    %sign3A_3 = arith.constant 0 : i32
    %sign3A_4 = arith.cmpi slt, %add3A, %sign3A_3 : i32
    %sign3A_5 = arith.extui %sign3A_4 : i1 to i32
    %sign3A_6 = arith.subi %sign3A_2, %sign3A_5 : i32
    %sign3A_7 = arith.constant 0 : i32
    %sign3A_8 = arith.cmpi sgt, %jit3A, %sign3A_7 : i32
    %sign3A_9 = arith.extui %sign3A_8 : i1 to i32
    %sign3A_10 = arith.constant 0 : i32
    %sign3A_11 = arith.cmpi slt, %jit3A, %sign3A_10 : i32
    %sign3A_12 = arith.extui %sign3A_11 : i1 to i32
    %sign3A_13 = arith.subi %sign3A_9, %sign3A_12 : i32
    %ne3A = arith.cmpi ne, %sign3A_6, %sign3A_13 : i32
    %rem3A = arith.remsi %add3A, %jit3A : i32
    %ne3A_14 = arith.constant 0 : i32
    %ne3A_15 = arith.cmpi ne, %rem3A, %ne3A_14 : i32
    %and3A = arith.andi %ne3A, %ne3A_15 : i1
    %sub3A = arith.constant 1 : i32
    %sub3A_16 = arith.subi %div3A, %sub3A : i32
    %select_n3A = arith.select %and3A, %sub3A_16, %div3A : i32
    %mul3A_17 = arith.constant 3 : i32
    %mul3A_18 = arith.muli %select_n3A, %mul3A_17 : i32
    %mul3A_19 = arith.constant 16384 : i32
    %mul3A_20 = arith.muli %mul3A_18, %mul3A_19 : i32
    %mul3A_21 = arith.constant 16384 : i32
    %mul3A_22 = arith.muli %select_n3A, %mul3A_21 : i32
    "tpu.region"() ({
      %run_scoped3A = tpu.sem_alloc : memref<!tpu.dma_semaphore, #tpu.memory_space<semaphore_mem>>
      %dma_start3A = tpu.memref_slice %arg4[%mul3A_22] : memref<65536xi32, #tpu.memory_space<hbm>> -> memref<16384xi32, #tpu.memory_space<hbm>>
      %dma_start3A_42 = tpu.memref_slice %arg4[%mul3A_22] : memref<65536xi32, #tpu.memory_space<hbm>> -> memref<16384xi32, #tpu.memory_space<hbm>>
      tpu.enqueue_dma source(%dma_start3A_42 : memref<16384xi32, #tpu.memory_space<hbm>>) target(%arg10 : memref<16384xi32, #tpu.memory_space<vmem>>) target_semaphore(%run_scoped3A : memref<!tpu.dma_semaphore, #tpu.memory_space<semaphore_mem>>)
      %dma_wait3A = tpu.memref_slice %arg4[%mul3A_22] : memref<65536xi32, #tpu.memory_space<hbm>> -> memref<16384xi32, #tpu.memory_space<hbm>>
      %dma_wait3A_43 = tpu.memref_slice %arg4[%mul3A_22] : memref<65536xi32, #tpu.memory_space<hbm>> -> memref<16384xi32, #tpu.memory_space<hbm>>
      tpu.wait_dma2 semaphore(%run_scoped3A : memref<!tpu.dma_semaphore, #tpu.memory_space<semaphore_mem>>) src(%dma_wait3A_43 : memref<16384xi32, #tpu.memory_space<hbm>>) dst(%arg10 : memref<16384xi32, #tpu.memory_space<vmem>>)
      tpu.yield
    }) : () -> ()
    %add3A_23 = arith.constant 32768 : i32
    %add3A_24 = arith.addi %mul3A_20, %add3A_23 : i32
    "tpu.region"() ({
      %run_scoped3A = tpu.sem_alloc : memref<!tpu.dma_semaphore, #tpu.memory_space<semaphore_mem>>
      %dma_start3A = tpu.memref_slice %arg3[%add3A_24] : memref<196608xf32, #tpu.memory_space<hbm>> -> memref<16384xf32, #tpu.memory_space<hbm>>
      %dma_start3A_42 = tpu.memref_slice %arg3[%add3A_24] : memref<196608xf32, #tpu.memory_space<hbm>> -> memref<16384xf32, #tpu.memory_space<hbm>>
      tpu.enqueue_dma source(%dma_start3A_42 : memref<16384xf32, #tpu.memory_space<hbm>>) target(%arg11 : memref<16384xf32, #tpu.memory_space<vmem>>) target_semaphore(%run_scoped3A : memref<!tpu.dma_semaphore, #tpu.memory_space<semaphore_mem>>)
      %dma_wait3A = tpu.memref_slice %arg3[%add3A_24] : memref<196608xf32, #tpu.memory_space<hbm>> -> memref<16384xf32, #tpu.memory_space<hbm>>
      %dma_wait3A_43 = tpu.memref_slice %arg3[%add3A_24] : memref<196608xf32, #tpu.memory_space<hbm>> -> memref<16384xf32, #tpu.memory_space<hbm>>
      tpu.wait_dma2 semaphore(%run_scoped3A : memref<!tpu.dma_semaphore, #tpu.memory_space<semaphore_mem>>) src(%dma_wait3A_43 : memref<16384xf32, #tpu.memory_space<hbm>>) dst(%arg11 : memref<16384xf32, #tpu.memory_space<vmem>>)
      tpu.yield
    }) : () -> ()
    %mul3A_25 = arith.constant 128 : i32
    %mul3A_26 = arith.muli %add3A, %mul3A_25 : i32
    "tpu.region"() ({
      %run_scoped3A = tpu.sem_alloc : memref<!tpu.dma_semaphore, #tpu.memory_space<semaphore_mem>>
      %dma_start3A = tpu.memref_slice %arg5[%mul3A_26] : memref<4096xi32, #tpu.memory_space<hbm>> -> memref<128xi32, #tpu.memory_space<hbm>>
      %dma_start3A_42 = tpu.memref_slice %arg5[%mul3A_26] : memref<4096xi32, #tpu.memory_space<hbm>> -> memref<128xi32, #tpu.memory_space<hbm>>
      tpu.enqueue_dma source(%dma_start3A_42 : memref<128xi32, #tpu.memory_space<hbm>>) target(%arg14 : memref<128xi32, #tpu.memory_space<vmem>>) target_semaphore(%run_scoped3A : memref<!tpu.dma_semaphore, #tpu.memory_space<semaphore_mem>>)
      %dma_wait3A = tpu.memref_slice %arg5[%mul3A_26] : memref<4096xi32, #tpu.memory_space<hbm>> -> memref<128xi32, #tpu.memory_space<hbm>>
      %dma_wait3A_43 = tpu.memref_slice %arg5[%mul3A_26] : memref<4096xi32, #tpu.memory_space<hbm>> -> memref<128xi32, #tpu.memory_space<hbm>>
      tpu.wait_dma2 semaphore(%run_scoped3A : memref<!tpu.dma_semaphore, #tpu.memory_space<semaphore_mem>>) src(%dma_wait3A_43 : memref<128xi32, #tpu.memory_space<hbm>>) dst(%arg14 : memref<128xi32, #tpu.memory_space<vmem>>)
      tpu.yield
    }) : () -> ()
    %iota3A = tpu.iota {dimensions = array<i32: 0>} : vector<16xi32>
    %scan3A = arith.constant 0 : i32
    %scan3A_27 = arith.constant 0 : i32
    %scan3A_28 = arith.constant 32 : i32
    %scan3A_29 = arith.addi %scan3A_27, %scan3A_28 : i32
    %scan3A_30 = arith.constant 1 : i32
    scf.for %scan3A_42 = %scan3A_27 to %scan3A_29 step %scan3A_30  : i32 {
      %mul3A_43 = arith.constant 512 : i32
      %mul3A_44 = arith.muli %scan3A_42, %mul3A_43 : i32
      %add3A_45 = arith.addi %mul3A_20, %mul3A_44 : i32
      "tpu.region"() ({
        %run_scoped3A = tpu.sem_alloc : memref<!tpu.dma_semaphore, #tpu.memory_space<semaphore_mem>>
        %dma_start3A = tpu.memref_slice %arg2[%add3A_45] : memref<196608xf32, #tpu.memory_space<hbm>> -> memref<512xf32, #tpu.memory_space<hbm>>
        %dma_start3A_58 = tpu.memref_slice %arg2[%add3A_45] : memref<196608xf32, #tpu.memory_space<hbm>> -> memref<512xf32, #tpu.memory_space<hbm>>
        tpu.enqueue_dma source(%dma_start3A_58 : memref<512xf32, #tpu.memory_space<hbm>>) target(%arg7 : memref<512xf32, #tpu.memory_space<vmem>>) target_semaphore(%run_scoped3A : memref<!tpu.dma_semaphore, #tpu.memory_space<semaphore_mem>>)
        %dma_wait3A = tpu.memref_slice %arg2[%add3A_45] : memref<196608xf32, #tpu.memory_space<hbm>> -> memref<512xf32, #tpu.memory_space<hbm>>
        %dma_wait3A_59 = tpu.memref_slice %arg2[%add3A_45] : memref<196608xf32, #tpu.memory_space<hbm>> -> memref<512xf32, #tpu.memory_space<hbm>>
        tpu.wait_dma2 semaphore(%run_scoped3A : memref<!tpu.dma_semaphore, #tpu.memory_space<semaphore_mem>>) src(%dma_wait3A_59 : memref<512xf32, #tpu.memory_space<hbm>>) dst(%arg7 : memref<512xf32, #tpu.memory_space<vmem>>)
        tpu.yield
      }) : () -> ()
      %add3A_46 = arith.constant 16384 : i32
      %add3A_47 = arith.addi %mul3A_20, %add3A_46 : i32
      %add3A_48 = arith.addi %add3A_47, %mul3A_44 : i32
      "tpu.region"() ({
        %run_scoped3A = tpu.sem_alloc : memref<!tpu.dma_semaphore, #tpu.memory_space<semaphore_mem>>
        %dma_start3A = tpu.memref_slice %arg2[%add3A_48] : memref<196608xf32, #tpu.memory_space<hbm>> -> memref<512xf32, #tpu.memory_space<hbm>>
        %dma_start3A_58 = tpu.memref_slice %arg2[%add3A_48] : memref<196608xf32, #tpu.memory_space<hbm>> -> memref<512xf32, #tpu.memory_space<hbm>>
        tpu.enqueue_dma source(%dma_start3A_58 : memref<512xf32, #tpu.memory_space<hbm>>) target(%arg8 : memref<512xf32, #tpu.memory_space<vmem>>) target_semaphore(%run_scoped3A : memref<!tpu.dma_semaphore, #tpu.memory_space<semaphore_mem>>)
        %dma_wait3A = tpu.memref_slice %arg2[%add3A_48] : memref<196608xf32, #tpu.memory_space<hbm>> -> memref<512xf32, #tpu.memory_space<hbm>>
        %dma_wait3A_59 = tpu.memref_slice %arg2[%add3A_48] : memref<196608xf32, #tpu.memory_space<hbm>> -> memref<512xf32, #tpu.memory_space<hbm>>
        tpu.wait_dma2 semaphore(%run_scoped3A : memref<!tpu.dma_semaphore, #tpu.memory_space<semaphore_mem>>) src(%dma_wait3A_59 : memref<512xf32, #tpu.memory_space<hbm>>) dst(%arg8 : memref<512xf32, #tpu.memory_space<vmem>>)
        tpu.yield
      }) : () -> ()
      %add3A_49 = arith.constant 32768 : i32
      %add3A_50 = arith.addi %mul3A_20, %add3A_49 : i32
      %add3A_51 = arith.addi %add3A_50, %mul3A_44 : i32
      "tpu.region"() ({
        %run_scoped3A = tpu.sem_alloc : memref<!tpu.dma_semaphore, #tpu.memory_space<semaphore_mem>>
        %dma_start3A = tpu.memref_slice %arg2[%add3A_51] : memref<196608xf32, #tpu.memory_space<hbm>> -> memref<512xf32, #tpu.memory_space<hbm>>
        %dma_start3A_58 = tpu.memref_slice %arg2[%add3A_51] : memref<196608xf32, #tpu.memory_space<hbm>> -> memref<512xf32, #tpu.memory_space<hbm>>
        tpu.enqueue_dma source(%dma_start3A_58 : memref<512xf32, #tpu.memory_space<hbm>>) target(%arg9 : memref<512xf32, #tpu.memory_space<vmem>>) target_semaphore(%run_scoped3A : memref<!tpu.dma_semaphore, #tpu.memory_space<semaphore_mem>>)
        %dma_wait3A = tpu.memref_slice %arg2[%add3A_51] : memref<196608xf32, #tpu.memory_space<hbm>> -> memref<512xf32, #tpu.memory_space<hbm>>
        %dma_wait3A_59 = tpu.memref_slice %arg2[%add3A_51] : memref<196608xf32, #tpu.memory_space<hbm>> -> memref<512xf32, #tpu.memory_space<hbm>>
        tpu.wait_dma2 semaphore(%run_scoped3A : memref<!tpu.dma_semaphore, #tpu.memory_space<semaphore_mem>>) src(%dma_wait3A_59 : memref<512xf32, #tpu.memory_space<hbm>>) dst(%arg9 : memref<512xf32, #tpu.memory_space<vmem>>)
        tpu.yield
      }) : () -> ()
      %scan3A_52 = arith.constant 0 : i32
      %scan3A_53 = arith.constant 0 : i32
      %scan3A_54 = arith.constant 32 : i32
      %scan3A_55 = arith.addi %scan3A_53, %scan3A_54 : i32
      %scan3A_56 = arith.constant 1 : i32
      scf.for %scan3A_58 = %scan3A_53 to %scan3A_55 step %scan3A_56  : i32 {
        %mul3A_59 = arith.constant 16 : i32
        %mul3A_60 = arith.muli %scan3A_58, %mul3A_59 : i32
        %get3A = arith.index_cast %mul3A_60 : i32 to index
        %get3A_61 = tpu.vector_load %arg7[%get3A] {strides = array<i32>} : memref<512xf32, #tpu.memory_space<vmem>>, vector<16xf32>,
        %mul3A_62 = arith.constant 16 : i32
        %mul3A_63 = arith.muli %scan3A_58, %mul3A_62 : i32
        %get3A_64 = arith.index_cast %mul3A_63 : i32 to index
        %get3A_65 = tpu.vector_load %arg8[%get3A_64] {strides = array<i32>} : memref<512xf32, #tpu.memory_space<vmem>>, vector<16xf32>,
        %mul3A_66 = arith.constant 16 : i32
        %mul3A_67 = arith.muli %scan3A_58, %mul3A_66 : i32
        %get3A_68 = arith.index_cast %mul3A_67 : i32 to index
        %get3A_69 = tpu.vector_load %arg9[%get3A_68] {strides = array<i32>} : memref<512xf32, #tpu.memory_space<vmem>>, vector<16xf32>,
        %mul3A_70 = arith.mulf %get3A_61, %get3A_61 : vector<16xf32>
        %mul3A_71 = arith.mulf %get3A_65, %get3A_65 : vector<16xf32>
        %add3A_72 = arith.addf %mul3A_70, %mul3A_71 : vector<16xf32>
        %mul3A_73 = arith.mulf %get3A_69, %get3A_69 : vector<16xf32>
        %add3A_74 = arith.addf %add3A_72, %mul3A_73 : vector<16xf32>
        %mul3A_75 = arith.constant 16 : i32
        %mul3A_76 = arith.muli %scan3A_58, %mul3A_75 : i32
        %add3A_77 = arith.addi %mul3A_44, %mul3A_76 : i32
        %swap3A = arith.index_cast %add3A_77 : i32 to index
        %swap3A_78 = tpu.vector_load %arg12[%swap3A] {strides = array<i32>} : memref<16384xf32, #tpu.memory_space<vmem>>, vector<16xf32>,
        tpu.vector_store %arg12[%swap3A], %add3A_74 {strides = array<i32>} : memref<16384xf32, #tpu.memory_space<vmem>>, vector<16xf32>,
        %mul3A_79 = arith.mulf %get3A_61, %get3A_61 : vector<16xf32>
        %mul3A_80 = arith.mulf %get3A_69, %get3A_69 : vector<16xf32>
        %add3A_81 = arith.addf %mul3A_79, %mul3A_80 : vector<16xf32>
        %mul3A_82 = arith.mulf %get3A_65, %get3A_65 : vector<16xf32>
        %add3A_83 = arith.addf %add3A_81, %mul3A_82 : vector<16xf32>
        %mul3A_84 = arith.constant 16 : i32
        %mul3A_85 = arith.muli %scan3A_58, %mul3A_84 : i32
        %add3A_86 = arith.addi %mul3A_44, %mul3A_85 : i32
        %swap3A_87 = arith.index_cast %add3A_86 : i32 to index
        %swap3A_88 = tpu.vector_load %arg13[%swap3A_87] {strides = array<i32>} : memref<16384xf32, #tpu.memory_space<vmem>>, vector<16xf32>,
        tpu.vector_store %arg13[%swap3A_87], %add3A_83 {strides = array<i32>} : memref<16384xf32, #tpu.memory_space<vmem>>, vector<16xf32>,
      }
      %scan3A_57 = arith.constant 32 : i32
    }
    %scan3A_31 = arith.constant 32 : i32
    %scan3A_32 = arith.constant 0 : i32
    %scan3A_33 = arith.constant 0 : i32
    %scan3A_34 = arith.constant 128 : i32
    %scan3A_35 = arith.addi %scan3A_33, %scan3A_34 : i32
    %scan3A_36 = arith.constant 1 : i32
    scf.for %scan3A_42 = %scan3A_33 to %scan3A_35 step %scan3A_36  : i32 {
      %broadcast_in_dim3A = vector.broadcast %scan3A_42 : i32 to vector<16xi32>
      %gather3A = tpu.vector_load_idx %arg14[%broadcast_in_dim3A] : memref<128xi32, #tpu.memory_space<vmem>>[vector<16xi32>], vector<16xi32>,
      %gather3A_43 = tpu.vector_load_idx %arg10[%gather3A] : memref<16384xi32, #tpu.memory_space<vmem>>[vector<16xi32>], vector<16xi32>,
      %and3A_44 = arith.constant -65536 : i32
      %and3A_45 = vector.broadcast %and3A_44 : i32 to vector<16xi32>
      %and3A_46 = arith.andi %gather3A_43, %and3A_45 : vector<16xi32>
      %bitcast3A = vector.bitcast %and3A_46 : vector<16xi32> to vector<16xf32>
      %mul3A_47 = arith.constant -2.000000e+00 : f32
      %mul3A_48 = vector.broadcast %mul3A_47 : f32 to vector<16xf32>
      %mul3A_49 = arith.mulf %mul3A_48, %bitcast3A : vector<16xf32>
      %shift_left3A = arith.constant 16 : i32
      %shift_left3A_50 = vector.broadcast %shift_left3A : i32 to vector<16xi32>
      %shift_left3A_51 = arith.shli %gather3A_43, %shift_left3A_50 : vector<16xi32>
      %bitcast3A_52 = vector.bitcast %shift_left3A_51 : vector<16xi32> to vector<16xf32>
      %mul3A_53 = arith.constant -2.000000e+00 : f32
      %mul3A_54 = vector.broadcast %mul3A_53 : f32 to vector<16xf32>
      %mul3A_55 = arith.mulf %mul3A_54, %bitcast3A_52 : vector<16xf32>
      %gather3A_56 = tpu.vector_load_idx %arg11[%gather3A] : memref<16384xf32, #tpu.memory_space<vmem>>[vector<16xi32>], vector<16xf32>,
      %mul3A_57 = arith.constant -2.000000e+00 : f32
      %mul3A_58 = vector.broadcast %mul3A_57 : f32 to vector<16xf32>
      %mul3A_59 = arith.mulf %mul3A_58, %gather3A_56 : vector<16xf32>
      %gather3A_60 = tpu.vector_load_idx %arg13[%gather3A] : memref<16384xf32, #tpu.memory_space<vmem>>[vector<16xi32>], vector<16xf32>,
      %while3A = arith.constant 0 : i32
      %while3A_61 = arith.constant 0 : i32
      %while3A_62:2 = scf.while (%while3A_89 = %while3A, %while3A_90 = %while3A_61) : (i32, i32) -> (i32, i32) {
        %lt3A_91 = arith.constant 1024 : i32
        %lt3A_92 = arith.cmpi slt, %while3A_89, %lt3A_91 : i32
        %lt3A_93 = arith.constant 32 : i32
        %lt3A_94 = arith.cmpi slt, %while3A_90, %lt3A_93 : i32
        %and3A_95 = arith.andi %lt3A_92, %lt3A_94 : i1
        scf.condition(%and3A_95) %while3A_89, %while3A_90 : i32, i32
      } do {
      ^bb0(%while3A_89: i32, %while3A_90: i32):
        %add3A_91 = arith.constant 0 : i32
        %add3A_92 = arith.addi %while3A_89, %add3A_91 : i32
        %mul3A_93 = arith.constant 16 : i32
        %mul3A_94 = arith.muli %add3A_92, %mul3A_93 : i32
        %get3A_95 = arith.index_cast %mul3A_94 : i32 to index
        %get3A_96 = tpu.vector_load %arg10[%get3A_95] {strides = array<i32>} : memref<16384xi32, #tpu.memory_space<vmem>>, vector<16xi32>,
        %and3A_97 = arith.constant -65536 : i32
        %and3A_98 = vector.broadcast %and3A_97 : i32 to vector<16xi32>
        %and3A_99 = arith.andi %get3A_96, %and3A_98 : vector<16xi32>
        %bitcast3A_100 = vector.bitcast %and3A_99 : vector<16xi32> to vector<16xf32>
        %shift_left3A_101 = arith.constant 16 : i32
        %shift_left3A_102 = vector.broadcast %shift_left3A_101 : i32 to vector<16xi32>
        %shift_left3A_103 = arith.shli %get3A_96, %shift_left3A_102 : vector<16xi32>
        %bitcast3A_104 = vector.bitcast %shift_left3A_103 : vector<16xi32> to vector<16xf32>
        %get3A_105 = arith.index_cast %mul3A_94 : i32 to index
        %get3A_106 = tpu.vector_load %arg11[%get3A_105] {strides = array<i32>} : memref<16384xf32, #tpu.memory_space<vmem>>, vector<16xf32>,
        %get3A_107 = arith.index_cast %mul3A_94 : i32 to index
        %get3A_108 = tpu.vector_load %arg12[%get3A_107] {strides = array<i32>} : memref<16384xf32, #tpu.memory_space<vmem>>, vector<16xf32>,
        %mul3A_109 = arith.mulf %mul3A_49, %bitcast3A_100 : vector<16xf32>
        %mul3A_110 = arith.mulf %mul3A_55, %bitcast3A_104 : vector<16xf32>
        %add3A_111 = arith.addf %mul3A_109, %mul3A_110 : vector<16xf32>
        %mul3A_112 = arith.mulf %mul3A_59, %get3A_106 : vector<16xf32>
        %add3A_113 = arith.addf %add3A_111, %mul3A_112 : vector<16xf32>
        %add3A_114 = arith.addf %add3A_113, %gather3A_60 : vector<16xf32>
        %add3A_115 = arith.addf %add3A_114, %get3A_108 : vector<16xf32>
        %le3A = arith.constant 4.000000e-02 : f32
        %le3A_116 = vector.broadcast %le3A : f32 to vector<16xf32>
        %le3A_117 = arith.cmpf ole, %add3A_115, %le3A_116 : vector<16xf32>
        %all_reduce_population_count3A = tpu.all_reduce %le3A_117 {dim = 0 : i64, kind = #tpu.reduction_kind<sum>} : vector<16xi1> -> vector<16xi32>
        %add3A_118 = arith.constant 1 : i32
        %add3A_119 = arith.addi %while3A_89, %add3A_118 : i32
        %mul3A_120 = arith.constant 16 : i32
        %mul3A_121 = arith.muli %add3A_119, %mul3A_120 : i32
        %get3A_122 = arith.index_cast %mul3A_121 : i32 to index
        %get3A_123 = tpu.vector_load %arg10[%get3A_122] {strides = array<i32>} : memref<16384xi32, #tpu.memory_space<vmem>>, vector<16xi32>,
        %and3A_124 = arith.constant -65536 : i32
        %and3A_125 = vector.broadcast %and3A_124 : i32 to vector<16xi32>
        %and3A_126 = arith.andi %get3A_123, %and3A_125 : vector<16xi32>
        %bitcast3A_127 = vector.bitcast %and3A_126 : vector<16xi32> to vector<16xf32>
        %shift_left3A_128 = arith.constant 16 : i32
        %shift_left3A_129 = vector.broadcast %shift_left3A_128 : i32 to vector<16xi32>
        %shift_left3A_130 = arith.shli %get3A_123, %shift_left3A_129 : vector<16xi32>
        %bitcast3A_131 = vector.bitcast %shift_left3A_130 : vector<16xi32> to vector<16xf32>
        %get3A_132 = arith.index_cast %mul3A_121 : i32 to index
        %get3A_133 = tpu.vector_load %arg11[%get3A_132] {strides = array<i32>} : memref<16384xf32, #tpu.memory_space<vmem>>, vector<16xf32>,
        %get3A_134 = arith.index_cast %mul3A_121 : i32 to index
        %get3A_135 = tpu.vector_load %arg12[%get3A_134] {strides = array<i32>} : memref<16384xf32, #tpu.memory_space<vmem>>, vector<16xf32>,
        %mul3A_136 = arith.mulf %mul3A_49, %bitcast3A_127 : vector<16xf32>
        %mul3A_137 = arith.mulf %mul3A_55, %bitcast3A_131 : vector<16xf32>
        %add3A_138 = arith.addf %mul3A_136, %mul3A_137 : vector<16xf32>
        %mul3A_139 = arith.mulf %mul3A_59, %get3A_133 : vector<16xf32>
        %add3A_140 = arith.addf %add3A_138, %mul3A_139 : vector<16xf32>
        %add3A_141 = arith.addf %add3A_140, %gather3A_60 : vector<16xf32>
        %add3A_142 = arith.addf %add3A_141, %get3A_135 : vector<16xf32>
        %le3A_143 = arith.constant 4.000000e-02 : f32
        %le3A_144 = vector.broadcast %le3A_143 : f32 to vector<16xf32>
        %le3A_145 = arith.cmpf ole, %add3A_142, %le3A_144 : vector<16xf32>
        %all_reduce_population_count3A_146 = tpu.all_reduce %le3A_145 {dim = 0 : i64, kind = #tpu.reduction_kind<sum>} : vector<16xi1> -> vector<16xi32>
        %add3A_147 = arith.constant 2 : i32
        %add3A_148 = arith.addi %while3A_89, %add3A_147 : i32
        %mul3A_149 = arith.constant 16 : i32
        %mul3A_150 = arith.muli %add3A_148, %mul3A_149 : i32
        %get3A_151 = arith.index_cast %mul3A_150 : i32 to index
        %get3A_152 = tpu.vector_load %arg10[%get3A_151] {strides = array<i32>} : memref<16384xi32, #tpu.memory_space<vmem>>, vector<16xi32>,
        %and3A_153 = arith.constant -65536 : i32
        %and3A_154 = vector.broadcast %and3A_153 : i32 to vector<16xi32>
        %and3A_155 = arith.andi %get3A_152, %and3A_154 : vector<16xi32>
        %bitcast3A_156 = vector.bitcast %and3A_155 : vector<16xi32> to vector<16xf32>
        %shift_left3A_157 = arith.constant 16 : i32
        %shift_left3A_158 = vector.broadcast %shift_left3A_157 : i32 to vector<16xi32>
        %shift_left3A_159 = arith.shli %get3A_152, %shift_left3A_158 : vector<16xi32>
        %bitcast3A_160 = vector.bitcast %shift_left3A_159 : vector<16xi32> to vector<16xf32>
        %get3A_161 = arith.index_cast %mul3A_150 : i32 to index
        %get3A_162 = tpu.vector_load %arg11[%get3A_161] {strides = array<i32>} : memref<16384xf32, #tpu.memory_space<vmem>>, vector<16xf32>,
        %get3A_163 = arith.index_cast %mul3A_150 : i32 to index
        %get3A_164 = tpu.vector_load %arg12[%get3A_163] {strides = array<i32>} : memref<16384xf32, #tpu.memory_space<vmem>>, vector<16xf32>,
        %mul3A_165 = arith.mulf %mul3A_49, %bitcast3A_156 : vector<16xf32>
        %mul3A_166 = arith.mulf %mul3A_55, %bitcast3A_160 : vector<16xf32>
        %add3A_167 = arith.addf %mul3A_165, %mul3A_166 : vector<16xf32>
        %mul3A_168 = arith.mulf %mul3A_59, %get3A_162 : vector<16xf32>
        %add3A_169 = arith.addf %add3A_167, %mul3A_168 : vector<16xf32>
        %add3A_170 = arith.addf %add3A_169, %gather3A_60 : vector<16xf32>
        %add3A_171 = arith.addf %add3A_170, %get3A_164 : vector<16xf32>
        %le3A_172 = arith.constant 4.000000e-02 : f32
        %le3A_173 = vector.broadcast %le3A_172 : f32 to vector<16xf32>
        %le3A_174 = arith.cmpf ole, %add3A_171, %le3A_173 : vector<16xf32>
        %all_reduce_population_count3A_175 = tpu.all_reduce %le3A_174 {dim = 0 : i64, kind = #tpu.reduction_kind<sum>} : vector<16xi1> -> vector<16xi32>
        %add3A_176 = arith.constant 3 : i32
        %add3A_177 = arith.addi %while3A_89, %add3A_176 : i32
        %mul3A_178 = arith.constant 16 : i32
        %mul3A_179 = arith.muli %add3A_177, %mul3A_178 : i32
        %get3A_180 = arith.index_cast %mul3A_179 : i32 to index
        %get3A_181 = tpu.vector_load %arg10[%get3A_180] {strides = array<i32>} : memref<16384xi32, #tpu.memory_space<vmem>>, vector<16xi32>,
        %and3A_182 = arith.constant -65536 : i32
        %and3A_183 = vector.broadcast %and3A_182 : i32 to vector<16xi32>
        %and3A_184 = arith.andi %get3A_181, %and3A_183 : vector<16xi32>
        %bitcast3A_185 = vector.bitcast %and3A_184 : vector<16xi32> to vector<16xf32>
        %shift_left3A_186 = arith.constant 16 : i32
        %shift_left3A_187 = vector.broadcast %shift_left3A_186 : i32 to vector<16xi32>
        %shift_left3A_188 = arith.shli %get3A_181, %shift_left3A_187 : vector<16xi32>
        %bitcast3A_189 = vector.bitcast %shift_left3A_188 : vector<16xi32> to vector<16xf32>
        %get3A_190 = arith.index_cast %mul3A_179 : i32 to index
        %get3A_191 = tpu.vector_load %arg11[%get3A_190] {strides = array<i32>} : memref<16384xf32, #tpu.memory_space<vmem>>, vector<16xf32>,
        %get3A_192 = arith.index_cast %mul3A_179 : i32 to index
        %get3A_193 = tpu.vector_load %arg12[%get3A_192] {strides = array<i32>} : memref<16384xf32, #tpu.memory_space<vmem>>, vector<16xf32>,
        %mul3A_194 = arith.mulf %mul3A_49, %bitcast3A_185 : vector<16xf32>
        %mul3A_195 = arith.mulf %mul3A_55, %bitcast3A_189 : vector<16xf32>
        %add3A_196 = arith.addf %mul3A_194, %mul3A_195 : vector<16xf32>
        %mul3A_197 = arith.mulf %mul3A_59, %get3A_191 : vector<16xf32>
        %add3A_198 = arith.addf %add3A_196, %mul3A_197 : vector<16xf32>
        %add3A_199 = arith.addf %add3A_198, %gather3A_60 : vector<16xf32>
        %add3A_200 = arith.addf %add3A_199, %get3A_193 : vector<16xf32>
        %le3A_201 = arith.constant 4.000000e-02 : f32
        %le3A_202 = vector.broadcast %le3A_201 : f32 to vector<16xf32>
        %le3A_203 = arith.cmpf ole, %add3A_200, %le3A_202 : vector<16xf32>
        %all_reduce_population_count3A_204 = tpu.all_reduce %le3A_203 {dim = 0 : i64, kind = #tpu.reduction_kind<sum>} : vector<16xi1> -> vector<16xi32>
        %add3A_205 = arith.constant 4 : i32
        %add3A_206 = arith.addi %while3A_89, %add3A_205 : i32
        %mul3A_207 = arith.constant 16 : i32
        %mul3A_208 = arith.muli %add3A_206, %mul3A_207 : i32
        %get3A_209 = arith.index_cast %mul3A_208 : i32 to index
        %get3A_210 = tpu.vector_load %arg10[%get3A_209] {strides = array<i32>} : memref<16384xi32, #tpu.memory_space<vmem>>, vector<16xi32>,
        %and3A_211 = arith.constant -65536 : i32
        %and3A_212 = vector.broadcast %and3A_211 : i32 to vector<16xi32>
        %and3A_213 = arith.andi %get3A_210, %and3A_212 : vector<16xi32>
        %bitcast3A_214 = vector.bitcast %and3A_213 : vector<16xi32> to vector<16xf32>
        %shift_left3A_215 = arith.constant 16 : i32
        %shift_left3A_216 = vector.broadcast %shift_left3A_215 : i32 to vector<16xi32>
        %shift_left3A_217 = arith.shli %get3A_210, %shift_left3A_216 : vector<16xi32>
        %bitcast3A_218 = vector.bitcast %shift_left3A_217 : vector<16xi32> to vector<16xf32>
        %get3A_219 = arith.index_cast %mul3A_208 : i32 to index
        %get3A_220 = tpu.vector_load %arg11[%get3A_219] {strides = array<i32>} : memref<16384xf32, #tpu.memory_space<vmem>>, vector<16xf32>,
        %get3A_221 = arith.index_cast %mul3A_208 : i32 to index
        %get3A_222 = tpu.vector_load %arg12[%get3A_221] {strides = array<i32>} : memref<16384xf32, #tpu.memory_space<vmem>>, vector<16xf32>,
        %mul3A_223 = arith.mulf %mul3A_49, %bitcast3A_214 : vector<16xf32>
        %mul3A_224 = arith.mulf %mul3A_55, %bitcast3A_218 : vector<16xf32>
        %add3A_225 = arith.addf %mul3A_223, %mul3A_224 : vector<16xf32>
        %mul3A_226 = arith.mulf %mul3A_59, %get3A_220 : vector<16xf32>
        %add3A_227 = arith.addf %add3A_225, %mul3A_226 : vector<16xf32>
        %add3A_228 = arith.addf %add3A_227, %gather3A_60 : vector<16xf32>
        %add3A_229 = arith.addf %add3A_228, %get3A_222 : vector<16xf32>
        %le3A_230 = arith.constant 4.000000e-02 : f32
        %le3A_231 = vector.broadcast %le3A_230 : f32 to vector<16xf32>
        %le3A_232 = arith.cmpf ole, %add3A_229, %le3A_231 : vector<16xf32>
        %all_reduce_population_count3A_233 = tpu.all_reduce %le3A_232 {dim = 0 : i64, kind = #tpu.reduction_kind<sum>} : vector<16xi1> -> vector<16xi32>
        %add3A_234 = arith.constant 5 : i32
        %add3A_235 = arith.addi %while3A_89, %add3A_234 : i32
        %mul3A_236 = arith.constant 16 : i32
        %mul3A_237 = arith.muli %add3A_235, %mul3A_236 : i32
        %get3A_238 = arith.index_cast %mul3A_237 : i32 to index
        %get3A_239 = tpu.vector_load %arg10[%get3A_238] {strides = array<i32>} : memref<16384xi32, #tpu.memory_space<vmem>>, vector<16xi32>,
        %and3A_240 = arith.constant -65536 : i32
        %and3A_241 = vector.broadcast %and3A_240 : i32 to vector<16xi32>
        %and3A_242 = arith.andi %get3A_239, %and3A_241 : vector<16xi32>
        %bitcast3A_243 = vector.bitcast %and3A_242 : vector<16xi32> to vector<16xf32>
        %shift_left3A_244 = arith.constant 16 : i32
        %shift_left3A_245 = vector.broadcast %shift_left3A_244 : i32 to vector<16xi32>
        %shift_left3A_246 = arith.shli %get3A_239, %shift_left3A_245 : vector<16xi32>
        %bitcast3A_247 = vector.bitcast %shift_left3A_246 : vector<16xi32> to vector<16xf32>
        %get3A_248 = arith.index_cast %mul3A_237 : i32 to index
        %get3A_249 = tpu.vector_load %arg11[%get3A_248] {strides = array<i32>} : memref<16384xf32, #tpu.memory_space<vmem>>, vector<16xf32>,
        %get3A_250 = arith.index_cast %mul3A_237 : i32 to index
        %get3A_251 = tpu.vector_load %arg12[%get3A_250] {strides = array<i32>} : memref<16384xf32, #tpu.memory_space<vmem>>, vector<16xf32>,
        %mul3A_252 = arith.mulf %mul3A_49, %bitcast3A_243 : vector<16xf32>
        %mul3A_253 = arith.mulf %mul3A_55, %bitcast3A_247 : vector<16xf32>
        %add3A_254 = arith.addf %mul3A_252, %mul3A_253 : vector<16xf32>
        %mul3A_255 = arith.mulf %mul3A_59, %get3A_249 : vector<16xf32>
        %add3A_256 = arith.addf %add3A_254, %mul3A_255 : vector<16xf32>
        %add3A_257 = arith.addf %add3A_256, %gather3A_60 : vector<16xf32>
        %add3A_258 = arith.addf %add3A_257, %get3A_251 : vector<16xf32>
        %le3A_259 = arith.constant 4.000000e-02 : f32
        %le3A_260 = vector.broadcast %le3A_259 : f32 to vector<16xf32>
        %le3A_261 = arith.cmpf ole, %add3A_258, %le3A_260 : vector<16xf32>
        %all_reduce_population_count3A_262 = tpu.all_reduce %le3A_261 {dim = 0 : i64, kind = #tpu.reduction_kind<sum>} : vector<16xi1> -> vector<16xi32>
        %add3A_263 = arith.constant 6 : i32
        %add3A_264 = arith.addi %while3A_89, %add3A_263 : i32
        %mul3A_265 = arith.constant 16 : i32
        %mul3A_266 = arith.muli %add3A_264, %mul3A_265 : i32
        %get3A_267 = arith.index_cast %mul3A_266 : i32 to index
        %get3A_268 = tpu.vector_load %arg10[%get3A_267] {strides = array<i32>} : memref<16384xi32, #tpu.memory_space<vmem>>, vector<16xi32>,
        %and3A_269 = arith.constant -65536 : i32
        %and3A_270 = vector.broadcast %and3A_269 : i32 to vector<16xi32>
        %and3A_271 = arith.andi %get3A_268, %and3A_270 : vector<16xi32>
        %bitcast3A_272 = vector.bitcast %and3A_271 : vector<16xi32> to vector<16xf32>
        %shift_left3A_273 = arith.constant 16 : i32
        %shift_left3A_274 = vector.broadcast %shift_left3A_273 : i32 to vector<16xi32>
        %shift_left3A_275 = arith.shli %get3A_268, %shift_left3A_274 : vector<16xi32>
        %bitcast3A_276 = vector.bitcast %shift_left3A_275 : vector<16xi32> to vector<16xf32>
        %get3A_277 = arith.index_cast %mul3A_266 : i32 to index
        %get3A_278 = tpu.vector_load %arg11[%get3A_277] {strides = array<i32>} : memref<16384xf32, #tpu.memory_space<vmem>>, vector<16xf32>,
        %get3A_279 = arith.index_cast %mul3A_266 : i32 to index
        %get3A_280 = tpu.vector_load %arg12[%get3A_279] {strides = array<i32>} : memref<16384xf32, #tpu.memory_space<vmem>>, vector<16xf32>,
        %mul3A_281 = arith.mulf %mul3A_49, %bitcast3A_272 : vector<16xf32>
        %mul3A_282 = arith.mulf %mul3A_55, %bitcast3A_276 : vector<16xf32>
        %add3A_283 = arith.addf %mul3A_281, %mul3A_282 : vector<16xf32>
        %mul3A_284 = arith.mulf %mul3A_59, %get3A_278 : vector<16xf32>
        %add3A_285 = arith.addf %add3A_283, %mul3A_284 : vector<16xf32>
        %add3A_286 = arith.addf %add3A_285, %gather3A_60 : vector<16xf32>
        %add3A_287 = arith.addf %add3A_286, %get3A_280 : vector<16xf32>
        %le3A_288 = arith.constant 4.000000e-02 : f32
        %le3A_289 = vector.broadcast %le3A_288 : f32 to vector<16xf32>
        %le3A_290 = arith.cmpf ole, %add3A_287, %le3A_289 : vector<16xf32>
        %all_reduce_population_count3A_291 = tpu.all_reduce %le3A_290 {dim = 0 : i64, kind = #tpu.reduction_kind<sum>} : vector<16xi1> -> vector<16xi32>
        %add3A_292 = arith.constant 7 : i32
        %add3A_293 = arith.addi %while3A_89, %add3A_292 : i32
        %mul3A_294 = arith.constant 16 : i32
        %mul3A_295 = arith.muli %add3A_293, %mul3A_294 : i32
        %get3A_296 = arith.index_cast %mul3A_295 : i32 to index
        %get3A_297 = tpu.vector_load %arg10[%get3A_296] {strides = array<i32>} : memref<16384xi32, #tpu.memory_space<vmem>>, vector<16xi32>,
        %and3A_298 = arith.constant -65536 : i32
        %and3A_299 = vector.broadcast %and3A_298 : i32 to vector<16xi32>
        %and3A_300 = arith.andi %get3A_297, %and3A_299 : vector<16xi32>
        %bitcast3A_301 = vector.bitcast %and3A_300 : vector<16xi32> to vector<16xf32>
        %shift_left3A_302 = arith.constant 16 : i32
        %shift_left3A_303 = vector.broadcast %shift_left3A_302 : i32 to vector<16xi32>
        %shift_left3A_304 = arith.shli %get3A_297, %shift_left3A_303 : vector<16xi32>
        %bitcast3A_305 = vector.bitcast %shift_left3A_304 : vector<16xi32> to vector<16xf32>
        %get3A_306 = arith.index_cast %mul3A_295 : i32 to index
        %get3A_307 = tpu.vector_load %arg11[%get3A_306] {strides = array<i32>} : memref<16384xf32, #tpu.memory_space<vmem>>, vector<16xf32>,
        %get3A_308 = arith.index_cast %mul3A_295 : i32 to index
        %get3A_309 = tpu.vector_load %arg12[%get3A_308] {strides = array<i32>} : memref<16384xf32, #tpu.memory_space<vmem>>, vector<16xf32>,
        %mul3A_310 = arith.mulf %mul3A_49, %bitcast3A_301 : vector<16xf32>
        %mul3A_311 = arith.mulf %mul3A_55, %bitcast3A_305 : vector<16xf32>
        %add3A_312 = arith.addf %mul3A_310, %mul3A_311 : vector<16xf32>
        %mul3A_313 = arith.mulf %mul3A_59, %get3A_307 : vector<16xf32>
        %add3A_314 = arith.addf %add3A_312, %mul3A_313 : vector<16xf32>
        %add3A_315 = arith.addf %add3A_314, %gather3A_60 : vector<16xf32>
        %add3A_316 = arith.addf %add3A_315, %get3A_309 : vector<16xf32>
        %le3A_317 = arith.constant 4.000000e-02 : f32
        %le3A_318 = vector.broadcast %le3A_317 : f32 to vector<16xf32>
        %le3A_319 = arith.cmpf ole, %add3A_316, %le3A_318 : vector<16xf32>
        %all_reduce_population_count3A_320 = tpu.all_reduce %le3A_319 {dim = 0 : i64, kind = #tpu.reduction_kind<sum>} : vector<16xi1> -> vector<16xi32>
        %add3A_321 = arith.constant 8 : i32
        %add3A_322 = arith.addi %while3A_89, %add3A_321 : i32
        %mul3A_323 = arith.constant 16 : i32
        %mul3A_324 = arith.muli %add3A_322, %mul3A_323 : i32
        %get3A_325 = arith.index_cast %mul3A_324 : i32 to index
        %get3A_326 = tpu.vector_load %arg10[%get3A_325] {strides = array<i32>} : memref<16384xi32, #tpu.memory_space<vmem>>, vector<16xi32>,
        %and3A_327 = arith.constant -65536 : i32
        %and3A_328 = vector.broadcast %and3A_327 : i32 to vector<16xi32>
        %and3A_329 = arith.andi %get3A_326, %and3A_328 : vector<16xi32>
        %bitcast3A_330 = vector.bitcast %and3A_329 : vector<16xi32> to vector<16xf32>
        %shift_left3A_331 = arith.constant 16 : i32
        %shift_left3A_332 = vector.broadcast %shift_left3A_331 : i32 to vector<16xi32>
        %shift_left3A_333 = arith.shli %get3A_326, %shift_left3A_332 : vector<16xi32>
        %bitcast3A_334 = vector.bitcast %shift_left3A_333 : vector<16xi32> to vector<16xf32>
        %get3A_335 = arith.index_cast %mul3A_324 : i32 to index
        %get3A_336 = tpu.vector_load %arg11[%get3A_335] {strides = array<i32>} : memref<16384xf32, #tpu.memory_space<vmem>>, vector<16xf32>,
        %get3A_337 = arith.index_cast %mul3A_324 : i32 to index
        %get3A_338 = tpu.vector_load %arg12[%get3A_337] {strides = array<i32>} : memref<16384xf32, #tpu.memory_space<vmem>>, vector<16xf32>,
        %mul3A_339 = arith.mulf %mul3A_49, %bitcast3A_330 : vector<16xf32>
        %mul3A_340 = arith.mulf %mul3A_55, %bitcast3A_334 : vector<16xf32>
        %add3A_341 = arith.addf %mul3A_339, %mul3A_340 : vector<16xf32>
        %mul3A_342 = arith.mulf %mul3A_59, %get3A_336 : vector<16xf32>
        %add3A_343 = arith.addf %add3A_341, %mul3A_342 : vector<16xf32>
        %add3A_344 = arith.addf %add3A_343, %gather3A_60 : vector<16xf32>
        %add3A_345 = arith.addf %add3A_344, %get3A_338 : vector<16xf32>
        %le3A_346 = arith.constant 4.000000e-02 : f32
        %le3A_347 = vector.broadcast %le3A_346 : f32 to vector<16xf32>
        %le3A_348 = arith.cmpf ole, %add3A_345, %le3A_347 : vector<16xf32>
        %all_reduce_population_count3A_349 = tpu.all_reduce %le3A_348 {dim = 0 : i64, kind = #tpu.reduction_kind<sum>} : vector<16xi1> -> vector<16xi32>
        %add3A_350 = arith.constant 9 : i32
        %add3A_351 = arith.addi %while3A_89, %add3A_350 : i32
        %mul3A_352 = arith.constant 16 : i32
        %mul3A_353 = arith.muli %add3A_351, %mul3A_352 : i32
        %get3A_354 = arith.index_cast %mul3A_353 : i32 to index
        %get3A_355 = tpu.vector_load %arg10[%get3A_354] {strides = array<i32>} : memref<16384xi32, #tpu.memory_space<vmem>>, vector<16xi32>,
        %and3A_356 = arith.constant -65536 : i32
        %and3A_357 = vector.broadcast %and3A_356 : i32 to vector<16xi32>
        %and3A_358 = arith.andi %get3A_355, %and3A_357 : vector<16xi32>
        %bitcast3A_359 = vector.bitcast %and3A_358 : vector<16xi32> to vector<16xf32>
        %shift_left3A_360 = arith.constant 16 : i32
        %shift_left3A_361 = vector.broadcast %shift_left3A_360 : i32 to vector<16xi32>
        %shift_left3A_362 = arith.shli %get3A_355, %shift_left3A_361 : vector<16xi32>
        %bitcast3A_363 = vector.bitcast %shift_left3A_362 : vector<16xi32> to vector<16xf32>
        %get3A_364 = arith.index_cast %mul3A_353 : i32 to index
        %get3A_365 = tpu.vector_load %arg11[%get3A_364] {strides = array<i32>} : memref<16384xf32, #tpu.memory_space<vmem>>, vector<16xf32>,
        %get3A_366 = arith.index_cast %mul3A_353 : i32 to index
        %get3A_367 = tpu.vector_load %arg12[%get3A_366] {strides = array<i32>} : memref<16384xf32, #tpu.memory_space<vmem>>, vector<16xf32>,
        %mul3A_368 = arith.mulf %mul3A_49, %bitcast3A_359 : vector<16xf32>
        %mul3A_369 = arith.mulf %mul3A_55, %bitcast3A_363 : vector<16xf32>
        %add3A_370 = arith.addf %mul3A_368, %mul3A_369 : vector<16xf32>
        %mul3A_371 = arith.mulf %mul3A_59, %get3A_365 : vector<16xf32>
        %add3A_372 = arith.addf %add3A_370, %mul3A_371 : vector<16xf32>
        %add3A_373 = arith.addf %add3A_372, %gather3A_60 : vector<16xf32>
        %add3A_374 = arith.addf %add3A_373, %get3A_367 : vector<16xf32>
        %le3A_375 = arith.constant 4.000000e-02 : f32
        %le3A_376 = vector.broadcast %le3A_375 : f32 to vector<16xf32>
        %le3A_377 = arith.cmpf ole, %add3A_374, %le3A_376 : vector<16xf32>
        %all_reduce_population_count3A_378 = tpu.all_reduce %le3A_377 {dim = 0 : i64, kind = #tpu.reduction_kind<sum>} : vector<16xi1> -> vector<16xi32>
        %add3A_379 = arith.constant 10 : i32
        %add3A_380 = arith.addi %while3A_89, %add3A_379 : i32
        %mul3A_381 = arith.constant 16 : i32
        %mul3A_382 = arith.muli %add3A_380, %mul3A_381 : i32
        %get3A_383 = arith.index_cast %mul3A_382 : i32 to index
        %get3A_384 = tpu.vector_load %arg10[%get3A_383] {strides = array<i32>} : memref<16384xi32, #tpu.memory_space<vmem>>, vector<16xi32>,
        %and3A_385 = arith.constant -65536 : i32
        %and3A_386 = vector.broadcast %and3A_385 : i32 to vector<16xi32>
        %and3A_387 = arith.andi %get3A_384, %and3A_386 : vector<16xi32>
        %bitcast3A_388 = vector.bitcast %and3A_387 : vector<16xi32> to vector<16xf32>
        %shift_left3A_389 = arith.constant 16 : i32
        %shift_left3A_390 = vector.broadcast %shift_left3A_389 : i32 to vector<16xi32>
        %shift_left3A_391 = arith.shli %get3A_384, %shift_left3A_390 : vector<16xi32>
        %bitcast3A_392 = vector.bitcast %shift_left3A_391 : vector<16xi32> to vector<16xf32>
        %get3A_393 = arith.index_cast %mul3A_382 : i32 to index
        %get3A_394 = tpu.vector_load %arg11[%get3A_393] {strides = array<i32>} : memref<16384xf32, #tpu.memory_space<vmem>>, vector<16xf32>,
        %get3A_395 = arith.index_cast %mul3A_382 : i32 to index
        %get3A_396 = tpu.vector_load %arg12[%get3A_395] {strides = array<i32>} : memref<16384xf32, #tpu.memory_space<vmem>>, vector<16xf32>,
        %mul3A_397 = arith.mulf %mul3A_49, %bitcast3A_388 : vector<16xf32>
        %mul3A_398 = arith.mulf %mul3A_55, %bitcast3A_392 : vector<16xf32>
        %add3A_399 = arith.addf %mul3A_397, %mul3A_398 : vector<16xf32>
        %mul3A_400 = arith.mulf %mul3A_59, %get3A_394 : vector<16xf32>
        %add3A_401 = arith.addf %add3A_399, %mul3A_400 : vector<16xf32>
        %add3A_402 = arith.addf %add3A_401, %gather3A_60 : vector<16xf32>
        %add3A_403 = arith.addf %add3A_402, %get3A_396 : vector<16xf32>
        %le3A_404 = arith.constant 4.000000e-02 : f32
        %le3A_405 = vector.broadcast %le3A_404 : f32 to vector<16xf32>
        %le3A_406 = arith.cmpf ole, %add3A_403, %le3A_405 : vector<16xf32>
        %all_reduce_population_count3A_407 = tpu.all_reduce %le3A_406 {dim = 0 : i64, kind = #tpu.reduction_kind<sum>} : vector<16xi1> -> vector<16xi32>
        %add3A_408 = arith.constant 11 : i32
        %add3A_409 = arith.addi %while3A_89, %add3A_408 : i32
        %mul3A_410 = arith.constant 16 : i32
        %mul3A_411 = arith.muli %add3A_409, %mul3A_410 : i32
        %get3A_412 = arith.index_cast %mul3A_411 : i32 to index
        %get3A_413 = tpu.vector_load %arg10[%get3A_412] {strides = array<i32>} : memref<16384xi32, #tpu.memory_space<vmem>>, vector<16xi32>,
        %and3A_414 = arith.constant -65536 : i32
        %and3A_415 = vector.broadcast %and3A_414 : i32 to vector<16xi32>
        %and3A_416 = arith.andi %get3A_413, %and3A_415 : vector<16xi32>
        %bitcast3A_417 = vector.bitcast %and3A_416 : vector<16xi32> to vector<16xf32>
        %shift_left3A_418 = arith.constant 16 : i32
        %shift_left3A_419 = vector.broadcast %shift_left3A_418 : i32 to vector<16xi32>
        %shift_left3A_420 = arith.shli %get3A_413, %shift_left3A_419 : vector<16xi32>
        %bitcast3A_421 = vector.bitcast %shift_left3A_420 : vector<16xi32> to vector<16xf32>
        %get3A_422 = arith.index_cast %mul3A_411 : i32 to index
        %get3A_423 = tpu.vector_load %arg11[%get3A_422] {strides = array<i32>} : memref<16384xf32, #tpu.memory_space<vmem>>, vector<16xf32>,
        %get3A_424 = arith.index_cast %mul3A_411 : i32 to index
        %get3A_425 = tpu.vector_load %arg12[%get3A_424] {strides = array<i32>} : memref<16384xf32, #tpu.memory_space<vmem>>, vector<16xf32>,
        %mul3A_426 = arith.mulf %mul3A_49, %bitcast3A_417 : vector<16xf32>
        %mul3A_427 = arith.mulf %mul3A_55, %bitcast3A_421 : vector<16xf32>
        %add3A_428 = arith.addf %mul3A_426, %mul3A_427 : vector<16xf32>
        %mul3A_429 = arith.mulf %mul3A_59, %get3A_423 : vector<16xf32>
        %add3A_430 = arith.addf %add3A_428, %mul3A_429 : vector<16xf32>
        %add3A_431 = arith.addf %add3A_430, %gather3A_60 : vector<16xf32>
        %add3A_432 = arith.addf %add3A_431, %get3A_425 : vector<16xf32>
        %le3A_433 = arith.constant 4.000000e-02 : f32
        %le3A_434 = vector.broadcast %le3A_433 : f32 to vector<16xf32>
        %le3A_435 = arith.cmpf ole, %add3A_432, %le3A_434 : vector<16xf32>
        %all_reduce_population_count3A_436 = tpu.all_reduce %le3A_435 {dim = 0 : i64, kind = #tpu.reduction_kind<sum>} : vector<16xi1> -> vector<16xi32>
        %add3A_437 = arith.constant 12 : i32
        %add3A_438 = arith.addi %while3A_89, %add3A_437 : i32
        %mul3A_439 = arith.constant 16 : i32
        %mul3A_440 = arith.muli %add3A_438, %mul3A_439 : i32
        %get3A_441 = arith.index_cast %mul3A_440 : i32 to index
        %get3A_442 = tpu.vector_load %arg10[%get3A_441] {strides = array<i32>} : memref<16384xi32, #tpu.memory_space<vmem>>, vector<16xi32>,
        %and3A_443 = arith.constant -65536 : i32
        %and3A_444 = vector.broadcast %and3A_443 : i32 to vector<16xi32>
        %and3A_445 = arith.andi %get3A_442, %and3A_444 : vector<16xi32>
        %bitcast3A_446 = vector.bitcast %and3A_445 : vector<16xi32> to vector<16xf32>
        %shift_left3A_447 = arith.constant 16 : i32
        %shift_left3A_448 = vector.broadcast %shift_left3A_447 : i32 to vector<16xi32>
        %shift_left3A_449 = arith.shli %get3A_442, %shift_left3A_448 : vector<16xi32>
        %bitcast3A_450 = vector.bitcast %shift_left3A_449 : vector<16xi32> to vector<16xf32>
        %get3A_451 = arith.index_cast %mul3A_440 : i32 to index
        %get3A_452 = tpu.vector_load %arg11[%get3A_451] {strides = array<i32>} : memref<16384xf32, #tpu.memory_space<vmem>>, vector<16xf32>,
        %get3A_453 = arith.index_cast %mul3A_440 : i32 to index
        %get3A_454 = tpu.vector_load %arg12[%get3A_453] {strides = array<i32>} : memref<16384xf32, #tpu.memory_space<vmem>>, vector<16xf32>,
        %mul3A_455 = arith.mulf %mul3A_49, %bitcast3A_446 : vector<16xf32>
        %mul3A_456 = arith.mulf %mul3A_55, %bitcast3A_450 : vector<16xf32>
        %add3A_457 = arith.addf %mul3A_455, %mul3A_456 : vector<16xf32>
        %mul3A_458 = arith.mulf %mul3A_59, %get3A_452 : vector<16xf32>
        %add3A_459 = arith.addf %add3A_457, %mul3A_458 : vector<16xf32>
        %add3A_460 = arith.addf %add3A_459, %gather3A_60 : vector<16xf32>
        %add3A_461 = arith.addf %add3A_460, %get3A_454 : vector<16xf32>
        %le3A_462 = arith.constant 4.000000e-02 : f32
        %le3A_463 = vector.broadcast %le3A_462 : f32 to vector<16xf32>
        %le3A_464 = arith.cmpf ole, %add3A_461, %le3A_463 : vector<16xf32>
        %all_reduce_population_count3A_465 = tpu.all_reduce %le3A_464 {dim = 0 : i64, kind = #tpu.reduction_kind<sum>} : vector<16xi1> -> vector<16xi32>
        %add3A_466 = arith.constant 13 : i32
        %add3A_467 = arith.addi %while3A_89, %add3A_466 : i32
        %mul3A_468 = arith.constant 16 : i32
        %mul3A_469 = arith.muli %add3A_467, %mul3A_468 : i32
        %get3A_470 = arith.index_cast %mul3A_469 : i32 to index
        %get3A_471 = tpu.vector_load %arg10[%get3A_470] {strides = array<i32>} : memref<16384xi32, #tpu.memory_space<vmem>>, vector<16xi32>,
        %and3A_472 = arith.constant -65536 : i32
        %and3A_473 = vector.broadcast %and3A_472 : i32 to vector<16xi32>
        %and3A_474 = arith.andi %get3A_471, %and3A_473 : vector<16xi32>
        %bitcast3A_475 = vector.bitcast %and3A_474 : vector<16xi32> to vector<16xf32>
        %shift_left3A_476 = arith.constant 16 : i32
        %shift_left3A_477 = vector.broadcast %shift_left3A_476 : i32 to vector<16xi32>
        %shift_left3A_478 = arith.shli %get3A_471, %shift_left3A_477 : vector<16xi32>
        %bitcast3A_479 = vector.bitcast %shift_left3A_478 : vector<16xi32> to vector<16xf32>
        %get3A_480 = arith.index_cast %mul3A_469 : i32 to index
        %get3A_481 = tpu.vector_load %arg11[%get3A_480] {strides = array<i32>} : memref<16384xf32, #tpu.memory_space<vmem>>, vector<16xf32>,
        %get3A_482 = arith.index_cast %mul3A_469 : i32 to index
        %get3A_483 = tpu.vector_load %arg12[%get3A_482] {strides = array<i32>} : memref<16384xf32, #tpu.memory_space<vmem>>, vector<16xf32>,
        %mul3A_484 = arith.mulf %mul3A_49, %bitcast3A_475 : vector<16xf32>
        %mul3A_485 = arith.mulf %mul3A_55, %bitcast3A_479 : vector<16xf32>
        %add3A_486 = arith.addf %mul3A_484, %mul3A_485 : vector<16xf32>
        %mul3A_487 = arith.mulf %mul3A_59, %get3A_481 : vector<16xf32>
        %add3A_488 = arith.addf %add3A_486, %mul3A_487 : vector<16xf32>
        %add3A_489 = arith.addf %add3A_488, %gather3A_60 : vector<16xf32>
        %add3A_490 = arith.addf %add3A_489, %get3A_483 : vector<16xf32>
        %le3A_491 = arith.constant 4.000000e-02 : f32
        %le3A_492 = vector.broadcast %le3A_491 : f32 to vector<16xf32>
        %le3A_493 = arith.cmpf ole, %add3A_490, %le3A_492 : vector<16xf32>
        %all_reduce_population_count3A_494 = tpu.all_reduce %le3A_493 {dim = 0 : i64, kind = #tpu.reduction_kind<sum>} : vector<16xi1> -> vector<16xi32>
        %add3A_495 = arith.constant 14 : i32
        %add3A_496 = arith.addi %while3A_89, %add3A_495 : i32
        %mul3A_497 = arith.constant 16 : i32
        %mul3A_498 = arith.muli %add3A_496, %mul3A_497 : i32
        %get3A_499 = arith.index_cast %mul3A_498 : i32 to index
        %get3A_500 = tpu.vector_load %arg10[%get3A_499] {strides = array<i32>} : memref<16384xi32, #tpu.memory_space<vmem>>, vector<16xi32>,
        %and3A_501 = arith.constant -65536 : i32
        %and3A_502 = vector.broadcast %and3A_501 : i32 to vector<16xi32>
        %and3A_503 = arith.andi %get3A_500, %and3A_502 : vector<16xi32>
        %bitcast3A_504 = vector.bitcast %and3A_503 : vector<16xi32> to vector<16xf32>
        %shift_left3A_505 = arith.constant 16 : i32
        %shift_left3A_506 = vector.broadcast %shift_left3A_505 : i32 to vector<16xi32>
        %shift_left3A_507 = arith.shli %get3A_500, %shift_left3A_506 : vector<16xi32>
        %bitcast3A_508 = vector.bitcast %shift_left3A_507 : vector<16xi32> to vector<16xf32>
        %get3A_509 = arith.index_cast %mul3A_498 : i32 to index
        %get3A_510 = tpu.vector_load %arg11[%get3A_509] {strides = array<i32>} : memref<16384xf32, #tpu.memory_space<vmem>>, vector<16xf32>,
        %get3A_511 = arith.index_cast %mul3A_498 : i32 to index
        %get3A_512 = tpu.vector_load %arg12[%get3A_511] {strides = array<i32>} : memref<16384xf32, #tpu.memory_space<vmem>>, vector<16xf32>,
        %mul3A_513 = arith.mulf %mul3A_49, %bitcast3A_504 : vector<16xf32>
        %mul3A_514 = arith.mulf %mul3A_55, %bitcast3A_508 : vector<16xf32>
        %add3A_515 = arith.addf %mul3A_513, %mul3A_514 : vector<16xf32>
        %mul3A_516 = arith.mulf %mul3A_59, %get3A_510 : vector<16xf32>
        %add3A_517 = arith.addf %add3A_515, %mul3A_516 : vector<16xf32>
        %add3A_518 = arith.addf %add3A_517, %gather3A_60 : vector<16xf32>
        %add3A_519 = arith.addf %add3A_518, %get3A_512 : vector<16xf32>
        %le3A_520 = arith.constant 4.000000e-02 : f32
        %le3A_521 = vector.broadcast %le3A_520 : f32 to vector<16xf32>
        %le3A_522 = arith.cmpf ole, %add3A_519, %le3A_521 : vector<16xf32>
        %all_reduce_population_count3A_523 = tpu.all_reduce %le3A_522 {dim = 0 : i64, kind = #tpu.reduction_kind<sum>} : vector<16xi1> -> vector<16xi32>
        %add3A_524 = arith.constant 15 : i32
        %add3A_525 = arith.addi %while3A_89, %add3A_524 : i32
        %mul3A_526 = arith.constant 16 : i32
        %mul3A_527 = arith.muli %add3A_525, %mul3A_526 : i32
        %get3A_528 = arith.index_cast %mul3A_527 : i32 to index
        %get3A_529 = tpu.vector_load %arg10[%get3A_528] {strides = array<i32>} : memref<16384xi32, #tpu.memory_space<vmem>>, vector<16xi32>,
        %and3A_530 = arith.constant -65536 : i32
        %and3A_531 = vector.broadcast %and3A_530 : i32 to vector<16xi32>
        %and3A_532 = arith.andi %get3A_529, %and3A_531 : vector<16xi32>
        %bitcast3A_533 = vector.bitcast %and3A_532 : vector<16xi32> to vector<16xf32>
        %shift_left3A_534 = arith.constant 16 : i32
        %shift_left3A_535 = vector.broadcast %shift_left3A_534 : i32 to vector<16xi32>
        %shift_left3A_536 = arith.shli %get3A_529, %shift_left3A_535 : vector<16xi32>
        %bitcast3A_537 = vector.bitcast %shift_left3A_536 : vector<16xi32> to vector<16xf32>
        %get3A_538 = arith.index_cast %mul3A_527 : i32 to index
        %get3A_539 = tpu.vector_load %arg11[%get3A_538] {strides = array<i32>} : memref<16384xf32, #tpu.memory_space<vmem>>, vector<16xf32>,
        %get3A_540 = arith.index_cast %mul3A_527 : i32 to index
        %get3A_541 = tpu.vector_load %arg12[%get3A_540] {strides = array<i32>} : memref<16384xf32, #tpu.memory_space<vmem>>, vector<16xf32>,
        %mul3A_542 = arith.mulf %mul3A_49, %bitcast3A_533 : vector<16xf32>
        %mul3A_543 = arith.mulf %mul3A_55, %bitcast3A_537 : vector<16xf32>
        %add3A_544 = arith.addf %mul3A_542, %mul3A_543 : vector<16xf32>
        %mul3A_545 = arith.mulf %mul3A_59, %get3A_539 : vector<16xf32>
        %add3A_546 = arith.addf %add3A_544, %mul3A_545 : vector<16xf32>
        %add3A_547 = arith.addf %add3A_546, %gather3A_60 : vector<16xf32>
        %add3A_548 = arith.addf %add3A_547, %get3A_541 : vector<16xf32>
        %le3A_549 = arith.constant 4.000000e-02 : f32
        %le3A_550 = vector.broadcast %le3A_549 : f32 to vector<16xf32>
        %le3A_551 = arith.cmpf ole, %add3A_548, %le3A_550 : vector<16xf32>
        %all_reduce_population_count3A_552 = tpu.all_reduce %le3A_551 {dim = 0 : i64, kind = #tpu.reduction_kind<sum>} : vector<16xi1> -> vector<16xi32>
        %broadcast_in_dim3A_553 = vector.broadcast %mul3A_94 : i32 to vector<16xi32>
        %add3A_554 = arith.addi %broadcast_in_dim3A_553, %iota3A : vector<16xi32>
        %swap3A_555 = arith.index_cast %while3A_90 : i32 to index
        %swap3A_556 = tpu.vector_load %arg15[%swap3A_555] masked %le3A_117 {strides = array<i32>} : memref<816xi32, #tpu.memory_space<vmem>>, vector<16xi32>, vector<16xi1>
        tpu.vector_store %arg15[%swap3A_555], %add3A_554 masked %le3A_117 {strides = array<i32>} : memref<816xi32, #tpu.memory_space<vmem>>, vector<16xi32>, vector<16xi1>
        %slice3A = vector.extract_strided_slice %all_reduce_population_count3A {offsets = [0], sizes = [1], strides = [1]} : vector<16xi32> to vector<1xi32>
        %squeeze3A = vector.extract %slice3A[0] : i32 from vector<1xi32>
        %add3A_557 = arith.addi %while3A_90, %squeeze3A : i32
        %broadcast_in_dim3A_558 = vector.broadcast %mul3A_121 : i32 to vector<16xi32>
        %add3A_559 = arith.addi %broadcast_in_dim3A_558, %iota3A : vector<16xi32>
        %swap3A_560 = arith.index_cast %add3A_557 : i32 to index
        %swap3A_561 = tpu.vector_load %arg15[%swap3A_560] masked %le3A_145 {strides = array<i32>} : memref<816xi32, #tpu.memory_space<vmem>>, vector<16xi32>, vector<16xi1>
        tpu.vector_store %arg15[%swap3A_560], %add3A_559 masked %le3A_145 {strides = array<i32>} : memref<816xi32, #tpu.memory_space<vmem>>, vector<16xi32>, vector<16xi1>
        %slice3A_562 = vector.extract_strided_slice %all_reduce_population_count3A_146 {offsets = [0], sizes = [1], strides = [1]} : vector<16xi32> to vector<1xi32>
        %squeeze3A_563 = vector.extract %slice3A_562[0] : i32 from vector<1xi32>
        %add3A_564 = arith.addi %add3A_557, %squeeze3A_563 : i32
        %broadcast_in_dim3A_565 = vector.broadcast %mul3A_150 : i32 to vector<16xi32>
        %add3A_566 = arith.addi %broadcast_in_dim3A_565, %iota3A : vector<16xi32>
        %swap3A_567 = arith.index_cast %add3A_564 : i32 to index
        %swap3A_568 = tpu.vector_load %arg15[%swap3A_567] masked %le3A_174 {strides = array<i32>} : memref<816xi32, #tpu.memory_space<vmem>>, vector<16xi32>, vector<16xi1>
        tpu.vector_store %arg15[%swap3A_567], %add3A_566 masked %le3A_174 {strides = array<i32>} : memref<816xi32, #tpu.memory_space<vmem>>, vector<16xi32>, vector<16xi1>
        %slice3A_569 = vector.extract_strided_slice %all_reduce_population_count3A_175 {offsets = [0], sizes = [1], strides = [1]} : vector<16xi32> to vector<1xi32>
        %squeeze3A_570 = vector.extract %slice3A_569[0] : i32 from vector<1xi32>
        %add3A_571 = arith.addi %add3A_564, %squeeze3A_570 : i32
        %broadcast_in_dim3A_572 = vector.broadcast %mul3A_179 : i32 to vector<16xi32>
        %add3A_573 = arith.addi %broadcast_in_dim3A_572, %iota3A : vector<16xi32>
        %swap3A_574 = arith.index_cast %add3A_571 : i32 to index
        %swap3A_575 = tpu.vector_load %arg15[%swap3A_574] masked %le3A_203 {strides = array<i32>} : memref<816xi32, #tpu.memory_space<vmem>>, vector<16xi32>, vector<16xi1>
        tpu.vector_store %arg15[%swap3A_574], %add3A_573 masked %le3A_203 {strides = array<i32>} : memref<816xi32, #tpu.memory_space<vmem>>, vector<16xi32>, vector<16xi1>
        %slice3A_576 = vector.extract_strided_slice %all_reduce_population_count3A_204 {offsets = [0], sizes = [1], strides = [1]} : vector<16xi32> to vector<1xi32>
        %squeeze3A_577 = vector.extract %slice3A_576[0] : i32 from vector<1xi32>
        %add3A_578 = arith.addi %add3A_571, %squeeze3A_577 : i32
        %broadcast_in_dim3A_579 = vector.broadcast %mul3A_208 : i32 to vector<16xi32>
        %add3A_580 = arith.addi %broadcast_in_dim3A_579, %iota3A : vector<16xi32>
        %swap3A_581 = arith.index_cast %add3A_578 : i32 to index
        %swap3A_582 = tpu.vector_load %arg15[%swap3A_581] masked %le3A_232 {strides = array<i32>} : memref<816xi32, #tpu.memory_space<vmem>>, vector<16xi32>, vector<16xi1>
        tpu.vector_store %arg15[%swap3A_581], %add3A_580 masked %le3A_232 {strides = array<i32>} : memref<816xi32, #tpu.memory_space<vmem>>, vector<16xi32>, vector<16xi1>
        %slice3A_583 = vector.extract_strided_slice %all_reduce_population_count3A_233 {offsets = [0], sizes = [1], strides = [1]} : vector<16xi32> to vector<1xi32>
        %squeeze3A_584 = vector.extract %slice3A_583[0] : i32 from vector<1xi32>
        %add3A_585 = arith.addi %add3A_578, %squeeze3A_584 : i32
        %broadcast_in_dim3A_586 = vector.broadcast %mul3A_237 : i32 to vector<16xi32>
        %add3A_587 = arith.addi %broadcast_in_dim3A_586, %iota3A : vector<16xi32>
        %swap3A_588 = arith.index_cast %add3A_585 : i32 to index
        %swap3A_589 = tpu.vector_load %arg15[%swap3A_588] masked %le3A_261 {strides = array<i32>} : memref<816xi32, #tpu.memory_space<vmem>>, vector<16xi32>, vector<16xi1>
        tpu.vector_store %arg15[%swap3A_588], %add3A_587 masked %le3A_261 {strides = array<i32>} : memref<816xi32, #tpu.memory_space<vmem>>, vector<16xi32>, vector<16xi1>
        %slice3A_590 = vector.extract_strided_slice %all_reduce_population_count3A_262 {offsets = [0], sizes = [1], strides = [1]} : vector<16xi32> to vector<1xi32>
        %squeeze3A_591 = vector.extract %slice3A_590[0] : i32 from vector<1xi32>
        %add3A_592 = arith.addi %add3A_585, %squeeze3A_591 : i32
        %broadcast_in_dim3A_593 = vector.broadcast %mul3A_266 : i32 to vector<16xi32>
        %add3A_594 = arith.addi %broadcast_in_dim3A_593, %iota3A : vector<16xi32>
        %swap3A_595 = arith.index_cast %add3A_592 : i32 to index
        %swap3A_596 = tpu.vector_load %arg15[%swap3A_595] masked %le3A_290 {strides = array<i32>} : memref<816xi32, #tpu.memory_space<vmem>>, vector<16xi32>, vector<16xi1>
        tpu.vector_store %arg15[%swap3A_595], %add3A_594 masked %le3A_290 {strides = array<i32>} : memref<816xi32, #tpu.memory_space<vmem>>, vector<16xi32>, vector<16xi1>
        %slice3A_597 = vector.extract_strided_slice %all_reduce_population_count3A_291 {offsets = [0], sizes = [1], strides = [1]} : vector<16xi32> to vector<1xi32>
        %squeeze3A_598 = vector.extract %slice3A_597[0] : i32 from vector<1xi32>
        %add3A_599 = arith.addi %add3A_592, %squeeze3A_598 : i32
        %broadcast_in_dim3A_600 = vector.broadcast %mul3A_295 : i32 to vector<16xi32>
        %add3A_601 = arith.addi %broadcast_in_dim3A_600, %iota3A : vector<16xi32>
        %swap3A_602 = arith.index_cast %add3A_599 : i32 to index
        %swap3A_603 = tpu.vector_load %arg15[%swap3A_602] masked %le3A_319 {strides = array<i32>} : memref<816xi32, #tpu.memory_space<vmem>>, vector<16xi32>, vector<16xi1>
        tpu.vector_store %arg15[%swap3A_602], %add3A_601 masked %le3A_319 {strides = array<i32>} : memref<816xi32, #tpu.memory_space<vmem>>, vector<16xi32>, vector<16xi1>
        %slice3A_604 = vector.extract_strided_slice %all_reduce_population_count3A_320 {offsets = [0], sizes = [1], strides = [1]} : vector<16xi32> to vector<1xi32>
        %squeeze3A_605 = vector.extract %slice3A_604[0] : i32 from vector<1xi32>
        %add3A_606 = arith.addi %add3A_599, %squeeze3A_605 : i32
        %broadcast_in_dim3A_607 = vector.broadcast %mul3A_324 : i32 to vector<16xi32>
        %add3A_608 = arith.addi %broadcast_in_dim3A_607, %iota3A : vector<16xi32>
        %swap3A_609 = arith.index_cast %add3A_606 : i32 to index
        %swap3A_610 = tpu.vector_load %arg15[%swap3A_609] masked %le3A_348 {strides = array<i32>} : memref<816xi32, #tpu.memory_space<vmem>>, vector<16xi32>, vector<16xi1>
        tpu.vector_store %arg15[%swap3A_609], %add3A_608 masked %le3A_348 {strides = array<i32>} : memref<816xi32, #tpu.memory_space<vmem>>, vector<16xi32>, vector<16xi1>
        %slice3A_611 = vector.extract_strided_slice %all_reduce_population_count3A_349 {offsets = [0], sizes = [1], strides = [1]} : vector<16xi32> to vector<1xi32>
        %squeeze3A_612 = vector.extract %slice3A_611[0] : i32 from vector<1xi32>
        %add3A_613 = arith.addi %add3A_606, %squeeze3A_612 : i32
        %broadcast_in_dim3A_614 = vector.broadcast %mul3A_353 : i32 to vector<16xi32>
        %add3A_615 = arith.addi %broadcast_in_dim3A_614, %iota3A : vector<16xi32>
        %swap3A_616 = arith.index_cast %add3A_613 : i32 to index
        %swap3A_617 = tpu.vector_load %arg15[%swap3A_616] masked %le3A_377 {strides = array<i32>} : memref<816xi32, #tpu.memory_space<vmem>>, vector<16xi32>, vector<16xi1>
        tpu.vector_store %arg15[%swap3A_616], %add3A_615 masked %le3A_377 {strides = array<i32>} : memref<816xi32, #tpu.memory_space<vmem>>, vector<16xi32>, vector<16xi1>
        %slice3A_618 = vector.extract_strided_slice %all_reduce_population_count3A_378 {offsets = [0], sizes = [1], strides = [1]} : vector<16xi32> to vector<1xi32>
        %squeeze3A_619 = vector.extract %slice3A_618[0] : i32 from vector<1xi32>
        %add3A_620 = arith.addi %add3A_613, %squeeze3A_619 : i32
        %broadcast_in_dim3A_621 = vector.broadcast %mul3A_382 : i32 to vector<16xi32>
        %add3A_622 = arith.addi %broadcast_in_dim3A_621, %iota3A : vector<16xi32>
        %swap3A_623 = arith.index_cast %add3A_620 : i32 to index
        %swap3A_624 = tpu.vector_load %arg15[%swap3A_623] masked %le3A_406 {strides = array<i32>} : memref<816xi32, #tpu.memory_space<vmem>>, vector<16xi32>, vector<16xi1>
        tpu.vector_store %arg15[%swap3A_623], %add3A_622 masked %le3A_406 {strides = array<i32>} : memref<816xi32, #tpu.memory_space<vmem>>, vector<16xi32>, vector<16xi1>
        %slice3A_625 = vector.extract_strided_slice %all_reduce_population_count3A_407 {offsets = [0], sizes = [1], strides = [1]} : vector<16xi32> to vector<1xi32>
        %squeeze3A_626 = vector.extract %slice3A_625[0] : i32 from vector<1xi32>
        %add3A_627 = arith.addi %add3A_620, %squeeze3A_626 : i32
        %broadcast_in_dim3A_628 = vector.broadcast %mul3A_411 : i32 to vector<16xi32>
        %add3A_629 = arith.addi %broadcast_in_dim3A_628, %iota3A : vector<16xi32>
        %swap3A_630 = arith.index_cast %add3A_627 : i32 to index
        %swap3A_631 = tpu.vector_load %arg15[%swap3A_630] masked %le3A_435 {strides = array<i32>} : memref<816xi32, #tpu.memory_space<vmem>>, vector<16xi32>, vector<16xi1>
        tpu.vector_store %arg15[%swap3A_630], %add3A_629 masked %le3A_435 {strides = array<i32>} : memref<816xi32, #tpu.memory_space<vmem>>, vector<16xi32>, vector<16xi1>
        %slice3A_632 = vector.extract_strided_slice %all_reduce_population_count3A_436 {offsets = [0], sizes = [1], strides = [1]} : vector<16xi32> to vector<1xi32>
        %squeeze3A_633 = vector.extract %slice3A_632[0] : i32 from vector<1xi32>
        %add3A_634 = arith.addi %add3A_627, %squeeze3A_633 : i32
        %broadcast_in_dim3A_635 = vector.broadcast %mul3A_440 : i32 to vector<16xi32>
        %add3A_636 = arith.addi %broadcast_in_dim3A_635, %iota3A : vector<16xi32>
        %swap3A_637 = arith.index_cast %add3A_634 : i32 to index
        %swap3A_638 = tpu.vector_load %arg15[%swap3A_637] masked %le3A_464 {strides = array<i32>} : memref<816xi32, #tpu.memory_space<vmem>>, vector<16xi32>, vector<16xi1>
        tpu.vector_store %arg15[%swap3A_637], %add3A_636 masked %le3A_464 {strides = array<i32>} : memref<816xi32, #tpu.memory_space<vmem>>, vector<16xi32>, vector<16xi1>
        %slice3A_639 = vector.extract_strided_slice %all_reduce_population_count3A_465 {offsets = [0], sizes = [1], strides = [1]} : vector<16xi32> to vector<1xi32>
        %squeeze3A_640 = vector.extract %slice3A_639[0] : i32 from vector<1xi32>
        %add3A_641 = arith.addi %add3A_634, %squeeze3A_640 : i32
        %broadcast_in_dim3A_642 = vector.broadcast %mul3A_469 : i32 to vector<16xi32>
        %add3A_643 = arith.addi %broadcast_in_dim3A_642, %iota3A : vector<16xi32>
        %swap3A_644 = arith.index_cast %add3A_641 : i32 to index
        %swap3A_645 = tpu.vector_load %arg15[%swap3A_644] masked %le3A_493 {strides = array<i32>} : memref<816xi32, #tpu.memory_space<vmem>>, vector<16xi32>, vector<16xi1>
        tpu.vector_store %arg15[%swap3A_644], %add3A_643 masked %le3A_493 {strides = array<i32>} : memref<816xi32, #tpu.memory_space<vmem>>, vector<16xi32>, vector<16xi1>
        %slice3A_646 = vector.extract_strided_slice %all_reduce_population_count3A_494 {offsets = [0], sizes = [1], strides = [1]} : vector<16xi32> to vector<1xi32>
        %squeeze3A_647 = vector.extract %slice3A_646[0] : i32 from vector<1xi32>
        %add3A_648 = arith.addi %add3A_641, %squeeze3A_647 : i32
        %broadcast_in_dim3A_649 = vector.broadcast %mul3A_498 : i32 to vector<16xi32>
        %add3A_650 = arith.addi %broadcast_in_dim3A_649, %iota3A : vector<16xi32>
        %swap3A_651 = arith.index_cast %add3A_648 : i32 to index
        %swap3A_652 = tpu.vector_load %arg15[%swap3A_651] masked %le3A_522 {strides = array<i32>} : memref<816xi32, #tpu.memory_space<vmem>>, vector<16xi32>, vector<16xi1>
        tpu.vector_store %arg15[%swap3A_651], %add3A_650 masked %le3A_522 {strides = array<i32>} : memref<816xi32, #tpu.memory_space<vmem>>, vector<16xi32>, vector<16xi1>
        %slice3A_653 = vector.extract_strided_slice %all_reduce_population_count3A_523 {offsets = [0], sizes = [1], strides = [1]} : vector<16xi32> to vector<1xi32>
        %squeeze3A_654 = vector.extract %slice3A_653[0] : i32 from vector<1xi32>
        %add3A_655 = arith.addi %add3A_648, %squeeze3A_654 : i32
        %broadcast_in_dim3A_656 = vector.broadcast %mul3A_527 : i32 to vector<16xi32>
        %add3A_657 = arith.addi %broadcast_in_dim3A_656, %iota3A : vector<16xi32>
        %swap3A_658 = arith.index_cast %add3A_655 : i32 to index
        %swap3A_659 = tpu.vector_load %arg15[%swap3A_658] masked %le3A_551 {strides = array<i32>} : memref<816xi32, #tpu.memory_space<vmem>>, vector<16xi32>, vector<16xi1>
        tpu.vector_store %arg15[%swap3A_658], %add3A_657 masked %le3A_551 {strides = array<i32>} : memref<816xi32, #tpu.memory_space<vmem>>, vector<16xi32>, vector<16xi1>
        %slice3A_660 = vector.extract_strided_slice %all_reduce_population_count3A_552 {offsets = [0], sizes = [1], strides = [1]} : vector<16xi32> to vector<1xi32>
        %squeeze3A_661 = vector.extract %slice3A_660[0] : i32 from vector<1xi32>
        %add3A_662 = arith.addi %add3A_655, %squeeze3A_661 : i32
        %add3A_663 = arith.constant 16 : i32
        %add3A_664 = arith.addi %while3A_89, %add3A_663 : i32
        scf.yield %add3A_664, %add3A_662 : i32, i32
      }
      %broadcast_in_dim3A_63 = arith.constant 0 : i32
      %broadcast_in_dim3A_64 = vector.broadcast %broadcast_in_dim3A_63 : i32 to vector<16xi32>
      %gather3A_65 = tpu.vector_load_idx %arg15[%broadcast_in_dim3A_64] : memref<816xi32, #tpu.memory_space<vmem>>[vector<16xi32>], vector<16xi32>,
      %gt3A = arith.constant 0 : i32
      %gt3A_66 = arith.cmpi sgt, %while3A_62#1, %gt3A : i32
      %broadcast_in_dim3A_67 = arith.constant 16384 : i32
      %broadcast_in_dim3A_68 = vector.broadcast %broadcast_in_dim3A_67 : i32 to vector<16xi32>
      %select_n3A_69 = arith.select %gt3A_66, %gather3A_65, %broadcast_in_dim3A_68 : vector<16xi32>
      %broadcast_in_dim3A_70 = vector.broadcast %while3A_62#1 : i32 to vector<16xi32>
      %lt3A = arith.cmpi slt, %iota3A, %broadcast_in_dim3A_70 : vector<16xi32>
      %get3A = arith.constant 0 : index
      %get3A_71 = tpu.vector_load %arg15[%get3A] {strides = array<i32>} : memref<816xi32, #tpu.memory_space<vmem>>, vector<16xi32>,
      %select_n3A_72 = arith.select %lt3A, %get3A_71, %select_n3A_69 : vector<16xi1>, vector<16xi32>
      %add3A_73 = arith.constant 16 : i32
      %add3A_74 = vector.broadcast %add3A_73 : i32 to vector<16xi32>
      %add3A_75 = arith.addi %iota3A, %add3A_74 : vector<16xi32>
      %lt3A_76 = arith.cmpi slt, %add3A_75, %broadcast_in_dim3A_70 : vector<16xi32>
      %get3A_77 = arith.constant 16 : index
      %get3A_78 = tpu.vector_load %arg15[%get3A_77] {strides = array<i32>} : memref<816xi32, #tpu.memory_space<vmem>>, vector<16xi32>,
      %select_n3A_79 = arith.select %lt3A_76, %get3A_78, %select_n3A_69 : vector<16xi1>, vector<16xi32>
      %mul3A_80 = arith.constant 32 : i32
      %mul3A_81 = arith.muli %scan3A_42, %mul3A_80 : i32
      %swap3A = arith.index_cast %mul3A_81 : i32 to index
      %swap3A_82 = tpu.vector_load %arg16[%swap3A] {strides = array<i32>} : memref<4096xi32, #tpu.memory_space<vmem>>, vector<16xi32>,
      tpu.vector_store %arg16[%swap3A], %select_n3A_72 {strides = array<i32>} : memref<4096xi32, #tpu.memory_space<vmem>>, vector<16xi32>,
      %mul3A_83 = arith.constant 32 : i32
      %mul3A_84 = arith.muli %scan3A_42, %mul3A_83 : i32
      %add3A_85 = arith.constant 16 : i32
      %add3A_86 = arith.addi %mul3A_84, %add3A_85 : i32
      %swap3A_87 = arith.index_cast %add3A_86 : i32 to index
      %swap3A_88 = tpu.vector_load %arg16[%swap3A_87] {strides = array<i32>} : memref<4096xi32, #tpu.memory_space<vmem>>, vector<16xi32>,
      tpu.vector_store %arg16[%swap3A_87], %select_n3A_79 {strides = array<i32>} : memref<4096xi32, #tpu.memory_space<vmem>>, vector<16xi32>,
    }
    %scan3A_37 = arith.constant 128 : i32
    %mul3A_38 = arith.constant 128 : i32
    %mul3A_39 = arith.muli %add3A, %mul3A_38 : i32
    %mul3A_40 = arith.constant 32 : i32
    %mul3A_41 = arith.muli %mul3A_39, %mul3A_40 : i32
    "tpu.region"() ({
      %run_scoped3A = tpu.sem_alloc : memref<!tpu.dma_semaphore, #tpu.memory_space<semaphore_mem>>
      %dma_start3A = tpu.memref_slice %arg6[%mul3A_41] : memref<131072xi32, #tpu.memory_space<hbm>> -> memref<4096xi32, #tpu.memory_space<hbm>>
      %dma_start3A_42 = tpu.memref_slice %arg6[%mul3A_41] : memref<131072xi32, #tpu.memory_space<hbm>> -> memref<4096xi32, #tpu.memory_space<hbm>>
      tpu.enqueue_dma source(%arg16 : memref<4096xi32, #tpu.memory_space<vmem>>) target(%dma_start3A_42 : memref<4096xi32, #tpu.memory_space<hbm>>) target_semaphore(%run_scoped3A : memref<!tpu.dma_semaphore, #tpu.memory_space<semaphore_mem>>)
      %dma_wait3A = tpu.memref_slice %arg6[%mul3A_41] : memref<131072xi32, #tpu.memory_space<hbm>> -> memref<4096xi32, #tpu.memory_space<hbm>>
      %dma_wait3A_43 = tpu.memref_slice %arg6[%mul3A_41] : memref<131072xi32, #tpu.memory_space<hbm>> -> memref<4096xi32, #tpu.memory_space<hbm>>
      tpu.wait_dma2 semaphore(%run_scoped3A : memref<!tpu.dma_semaphore, #tpu.memory_space<semaphore_mem>>) src(%arg16 : memref<4096xi32, #tpu.memory_space<vmem>>) dst(%dma_wait3A_43 : memref<4096xi32, #tpu.memory_space<hbm>>)
      tpu.yield
    }) : () -> ()
    return
  }
}

</mosaic_0001>

<sc_bundles>
// kernel: frnn_sc.3.cloned.1.call-start
scs
__scs_entry_jumppad:
0x0: {  	(pc) =	sbr.rel $0x88, $3  }
0x1: {  	(tag) =	ssettag $0x0;
	lr =	simm.s32 $0x1  }
0x2: {  	[smem:$0x3F9F] =	sst lr;
	_ =	strace $0xD0000000  }
0x3: {  	_ = 	snop  }
0x4: {  	_ = 	snop  }
0x5: {  	_ = 	snop  }
0x6: {  	_ = 	snop  }
0x7: {  	_ = 	snop  }
__scs_overlays_trampoline_lowered:
0x8: {  	[smem:$0x3FAE] =	sst s0  }
0x9: {  	[smem:$0x3FAF] =	sst s1  }
0xa: {  	[smem:$0x3FB0] =	sst s2  }
0xb: {  	[smem:$0x3FB1] =	sst s3  }
0xc: {  	[smem:$0x3FB2] =	sst s4  }
0xd: {  	[smem:$0x3FB3] =	sst s5  }
0xe: {  	[smem:$0x3FB4] =	sst s6  }
0xf: {  	[smem:$0x3FB5] =	sst s7  }
0x10: {  	[smem:$0x3FB6] =	sst s8  }
0x11: {  	[smem:$0x3FB7] =	sst s9;
	s0 =	simm.s32 @!p0 $0x0  }
0x12: {  	s1 =	sld [smem:$0x3F9D];
	s0 =	simm.s32 @p0 $0x1  }
0x13: {  	[smem:$0x3FB8] =	sst s0;
	s0 =	simm.s32 @!p1 $0x0  }
0x14: {  	s2 =	sld [smem:$0x3F9C];
	s0 =	simm.s32 @p1 $0x1  }
0x15: {  	[smem:$0x3FB9] =	sst s0;
	s0 =	simm.s32 @!p2 $0x0  }
0x16: {  	s3 =	sld [smem:$0x3FDB];
	s0 =	simm.s32 @p2 $0x1  }
0x17: {  	s4 =	simm.s32 $0x1BF5;
	[smem:$0x3FBB] =	sst s0  }
0x18: {  	s0 =	sld [smem:$0x3F9E];
	_ =	swait.ge [sflag:s4], $0x0  }
0x19: {  	s7 =	sld [smem:$0x3F9F]  }
0x1a: {  	s8 =	sadd.s32 $0xFFFFE003, lr  }
0x1b: {  	s9 =	sadd.s32 $0xFFFFFEF7, lr;
	s5 =	simm.s32 $0xFFFFFFFF;
	p2 =	slt.u32 s8, $0xFFFFF086  }
0x1c: {  	p1 =	slt.u32 s9, $0xF7A;
	s5 =	simm.s32 @!p2 $0x0  }
0x1d: {  	s5 =	simm.s32 @p1 $0x1;
	p0 =	seq.s32 s7, s2  }
0x1e: {  	s7 =	smul.u32 @!p0 $0xF7A, s2;
	p2 =	seq.s32 @!p0 s5, $0x0  }
0x1f: {  	s9 =	smul.u32 $0xF7A, s1;
	s8 =	simm.s32 @!p0 $0x1BF5;
	p2 =	por !p2, p0  }
0x20: {  	[sflag:s8] =	ssyncset.s32 @!p0 $0xFFFFF086;
	s6 =	sadd.s32 @!p0 s3, s7;
	s7 =	simm.s32 @!p0 $0x108  }
0x21: {  	s3 =	sadd.s32 s3, s9;
	s6 =	sadd.s32 @!p0 $0x88, s6;
	s7 =	simm.s32 @p2 $0x1082  }
0x22: {  	[simem:s7], [sflag:s8] =	dma.local @!p0 [hbm:s6], $0xF7A  }
0x23: {  	s9 =	sor.u32 $0xD0000000, s2;
	s6 =	simm.s32 $0x108;
	_ =	swait.ge @!p0 [sflag:s8], $0x0  }
0x24: {  	s3 =	sadd.s32 $0x88, s3;
	s6 =	simm.s32 @!p1 $0x1082;
	[sflag:s4] =	ssyncset.s32 $0xFFFFF086  }
0x25: {  	[simem:s6], [sflag:s4] =	dma.local [hbm:s3], $0xF7A  }
0x26: {  	[smem:$0x3F9F] =	sst s1;
	(tag) =	ssettag s2;
	_ =	strace s9  }
0x27: {  	s1 =	sld [smem:$0x3FAF]  }
0x28: {  	s2 =	sld [smem:$0x3FB0]  }
0x29: {  	s4 =	sld [smem:$0x3FB2]  }
0x2a: {  	p0 =	seq.s32 s5, $0x0;
	s5 =	sld [smem:$0x3FB3]  }
0x2b: {  	s6 =	sld [smem:$0x3FB4]  }
0x2c: {  	s7 =	sld [smem:$0x3FB5]  }
0x2d: {  	s3 =	simm.s32 $0x108;
	s8 =	sld [smem:$0x3FB6]  }
0x2e: {  	s3 =	simm.s32 @!p0 $0x1082;
	s9 =	sld [smem:$0x3FB7]  }
0x2f: {  	lr =	sadd.s32 s0, s3;
	s0 =	sld [smem:$0x3FAE]  }
0x30: {  	s3 =	sld [smem:$0x3FB1]  }
0x31: {  	[smem:$0x3FBA] =	sst s10  }
0x32: {  	s10 =	sld [smem:$0x3FB8];
	_ =	sdelay $0x3  }
0x33: {  	p0 =	seq.s32 s10, $0x1;
	s10 =	sld [smem:$0x3FBA];
	_ =	sdelay $0x3  }
0x34: {  	[smem:$0x3FBA] =	sst s10  }
0x35: {  	s10 =	sld [smem:$0x3FB9];
	_ =	sdelay $0x3  }
0x36: {  	p1 =	seq.s32 s10, $0x1;
	s10 =	sld [smem:$0x3FBA];
	_ =	sdelay $0x3  }
0x37: {  	[smem:$0x3FBA] =	sst s10  }
0x38: {  	s10 =	sld [smem:$0x3FBB]  }
0x39: {  	_ = 	snop;
	(pc) =	sbr.ind lr, $3  }
0x3a: {  	_ = 	snop  }
0x3b: {  	_ = 	snop  }
0x3c: {  	p2 =	seq.s32 s10, $0x1;
	s10 =	sld [smem:$0x3FBA]  }
0x3d: {  	_ =	shalt  }
0x3e: {  	_ =	shalt  }
0x3f: {  	_ =	shalt  }
0x40: {  	_ =	shalt  }
0x41: {  	_ =	shalt  }
0x42: {  	_ =	shalt  }
0x43: {  	_ =	shalt  }
0x44: {  	_ =	shalt  }
0x45: {  	_ =	shalt  }
0x46: {  	_ =	shalt  }
0x47: {  	_ =	shalt  }
0x48: {  	_ =	shalt  }
0x49: {  	_ =	shalt  }
0x4a: {  	_ =	shalt  }
0x4b: {  	_ =	shalt  }
0x4c: {  	_ =	shalt  }
0x4d: {  	_ =	shalt  }
0x4e: {  	_ =	shalt  }
0x4f: {  	_ =	shalt  }
0x50: {  	_ =	shalt  }
0x51: {  	_ =	shalt  }
0x52: {  	_ =	shalt  }
0x53: {  	_ =	shalt  }
0x54: {  	_ =	shalt  }
0x55: {  	_ =	shalt  }
0x56: {  	_ =	shalt  }
0x57: {  	_ =	shalt  }
0x58: {  	_ =	shalt  }
0x59: {  	_ =	shalt  }
0x5a: {  	_ =	shalt  }
0x5b: {  	_ =	shalt  }
0x5c: {  	_ =	shalt  }
0x5d: {  	_ =	shalt  }
0x5e: {  	_ =	shalt  }
0x5f: {  	_ =	shalt  }
0x60: {  	_ =	shalt  }
0x61: {  	_ =	shalt  }
0x62: {  	_ =	shalt  }
0x63: {  	_ =	shalt  }
0x64: {  	_ =	shalt  }
0x65: {  	_ =	shalt  }
0x66: {  	_ =	shalt  }
0x67: {  	_ =	shalt  }
0x68: {  	_ =	shalt  }
0x69: {  	_ =	shalt  }
0x6a: {  	_ =	shalt  }
0x6b: {  	_ =	shalt  }
0x6c: {  	_ =	shalt  }
0x6d: {  	_ =	shalt  }
0x6e: {  	_ =	shalt  }
0x6f: {  	_ =	shalt  }
0x70: {  	_ =	shalt  }
0x71: {  	_ =	shalt  }
0x72: {  	_ =	shalt  }
0x73: {  	_ =	shalt  }
0x74: {  	_ =	shalt  }
0x75: {  	_ =	shalt  }
0x76: {  	_ =	shalt  }
0x77: {  	_ =	shalt  }
0x78: {  	_ =	shalt  }
0x79: {  	_ =	shalt  }
0x7a: {  	_ =	shalt  }
0x7b: {  	_ =	shalt  }
0x7c: {  	_ =	shalt  }
0x7d: {  	_ =	shalt  }
0x7e: {  	_ =	shalt  }
0x7f: {  	_ =	shalt  }
0x80: {  	_ =	shalt  }
0x81: {  	_ =	shalt  }
0x82: {  	_ =	shalt  }
0x83: {  	_ =	shalt  }
0x84: {  	_ =	shalt  }
0x85: {  	_ =	shalt  }
0x86: {  	_ =	shalt  }
0x87: {  	_ =	shalt  }
.Lfunc_end0:
.L_simem_size_0:
called_computation_lowered:
.L_overlay_start_0:
0x88: {  	s2 =	sld [smem:$0x3FD9]  }
0x89: {  	s3 =	sld [smem:$0x3FFE];
	_ =	sdelay $0x1  }
0x8a: {  	s1 =	srdreg.scid  }
0x8b: {  	s0 =	sand.u32 $0x1, s1  }
0x8c: {  	s17 =	sshll.u32 s0, $0xA;
	s2 =	sadd.s32 s3, s2  }
0x8d: {  	s2 =	sadd.s32 s2, s17  }
0x8e: {  	[smem:$0x3FC6] =	sst s2  }
0x8f: {  	_ = 	snop  }
0x90: {  	s2 =	sld [smem:$0x3FD0];
	(tm) =	ssettm $0x1  }
0x91: {  	s18 =	sld [smem:$0x3FFB];
	_ =	sdelay $0x3  }
0x92: {  	_ =	strace s18  }
0x93: {  	s3 =	sld [smem:$0x3FFC];
	_ =	sdelay $0x3  }
0x94: {  	_ =	strace s3  }
0x95: {  	s3 =	sld [smem:$0x3FFD];
	_ =	sdelay $0x3  }
0x96: {  	_ =	strace s3  }
0x97: {  	_ =	strace $0x8FFFFFFF  }
0x98: {  	s19 =	sld [smem:$0x3FDB];
	_ =	sdelay $0x1  }
0x99: {  	s4 =	simm.s32 $_scs_section_size  }
0x9a: {  	s5 =	simm.s32 $_size__tile_overlayer_lowered;
	s6 =	simm.s32 $_tile_overlayer_lowered  }
0x9b: {  	s22 =	simm.s32 $0x1BFF;
	s21 =	sshll.u32 s6, $0x1;
	s3 =	sadd.s32 s4, s19  }
0x9c: {  	s7 =	simm.s32 $0x0;
	s20 =	sshll.u32 s5, $0x1;
	s5 =	sadd.s32 s21, s3  }
0x9d: {  	[timem:s7], [sflag:s22] =	dma.local [hbm:s5], s20  }
0x9e: {  	_ =	swait.ge [sflag:s22], s20  }
0x9f: {  	s4 =	ssub.s32 $0x0, s20;
	[sflag:s22] =	ssyncset.done $0x0  }
0xa0: {  	[sflag:s22] =	ssyncadd.s32 s4;
	_ =	sdelay $0x1  }
0xa1: {  	s23 =	simm.s32 $0x1B8B  }
0xa2: {  	_ =	swait.ge [sflag:s23], $0x1  }
0xa3: {  	[sflag:s23] =	ssyncset.done $0x0  }
0xa4: {  	s25 =	simm.s32 $0x1B8E;
	s24 =	sld [smem:$0x3FFE];
	[sflag:s23] =	ssyncadd.s32 $0xFFFFFFFF  }
0xa5: {  	s26 =	simm.s32 $execute0_lowered;
	[smem:$0x3FD2] =	sst s25  }
0xa6: {  	s5 =	sshll.u32 s26, $0x1;
	_ =	strace $0x80000046;
	[dreg:$0x1] =	wrdreg $0xFFFFFFFF  }
0xa7: {  	s28 =	simm.s32 $_size_execute0_lowered;
	s3 =	sadd.s32 s3, s5;
	[dreg:$0x0] =	wrdreg $0x0  }
0xa8: {  	s5 =	sshll.u32 s28, $0x1;
	[dreg:$0x2] =	wrdreg s3  }
0xa9: {  	[dreg:$0x3] =	wrdreg s5  }
0xaa: {  	[dreg:$0x4] =	wrdreg $0xC0  }
0xab: {  	_ =	task [dreg:s7], $0x5FFFF  }
0xac: {  	[dreg:$0x1] =	wrdreg $0xFFFFFFFF  }
0xad: {  	[dreg:$0x0] =	wrdreg $0x60  }
0xae: {  	[dreg:$0x2] =	wrdreg s24  }
0xaf: {  	[dreg:$0x3] =	wrdreg s2  }
0xb0: {  	[dreg:$0x4] =	wrdreg $0x9  }
0xb1: {  	_ =	task.clear_ibuf [dreg:s7], $0x5FFFF;
	_ =	strace $0x90000046  }
0xb2: {  	s29 =	simm.s32 $0x9;
	_ =	strace $0x80000048  }
0xb3: {  	_ =	swait.ge [sflag:s29], $0x1  }
0xb4: {  	[sflag:s29] =	ssyncadd.s32 $0xFFFFFFFF  }
0xb5: {  	_ =	strace $0x90000048  }
0xb6: {  	_ =	sfence  }
0xb7: {  	s30 =	sld [smem:$0x0];
	_ =	sdelay $0x2  }
0xb8: {  	s31 =	sshll.u32 s1, $0xD;
	s1 =	sshrl.u32 s1, $0x2  }
0xb9: {  	s3 =	sand.u32 $0x4000, s31;
	s1 =	sadd.s32 s1, s30  }
0xba: {  	s0 =	sor.u32 s3, s0;
	s1 =	sshll.u32 s1, $0x11  }
0xbb: {  	s0 =	sor.u32 s1, s0  }
0xbc: {  	s0 =	sadd.s32 $0x8F2B, s0  }
0xbd: {  	[sflag:s0] =	ssyncadd.remote.s32 $0x1  }
0xbe: {  	_ =	sfence.sel $0xFFFF  }
0xbf: {  	[dreg:$0x0] =	wrdreg $0xFFFFFFFF;
	(pc) =	sbr.abs _section_cstart, $3  }
0xc0: {  	[dreg:$0x1] =	wrdreg $0xFFFFFFFF  }
0xc1: {  	_ =	task.clear_ibuf [dreg:s7], $0x2FFFF;
	_ =	strace $0x9FFFFFFF  }
0xc2: {  	(tm) =	ssettm $0x7FFFFFFF  }
0xc3: {  	_ =	shalt  }
tec
execute0_lowered:
.L_overlay_start_1:
0x0: {  	(tag) =	ssettag $0x1  }
0x1: {  	s6 =	rddreg [dreg:$0x0];
	s0 =	stileid.u32  }
0x2: {  	s10 =	rddreg [dreg:$0x1];
	s2 =	simm.s32 $0x0;
	s5 =	srdreg.scid  }
0x3: {  	s14 =	simm.s32 $0x4600;
	s15 =	simm.s32 $0x10600;
	s16 =	simm.s32 $0x200  }
0x4: {  	s17 =	simm.s32 $0x400;
	s18 =	simm.s32 $0xC600;
	s19 =	simm.s32 $0x10680  }
0x5: {  	s21 =	simm.s32 $0x0;
	s7 =	sshrl.u32 s0, $0x2;
	[smem:$0x7FF] =	sst s2  }
0x6: {  	s9 =	sand.u32 $0x1, s5;
	s11 =	sshll.u32 s0, $0x1;
	s5 =	sadd.s32 $0x2A00, s6  }
0x7: {  	s3 =	smul.u32 $0xC000, s7;
	_ =	strace $0x80000047;
	s11 =	sor.u32 s9, s11  }
0x8: {  	s7 =	sshll.u32 s7, $0xB;
	s9 =	ssub.s32 $0x2, s9;
	s12 =	sshll.u32 s11, $0x4  }
0x9: {  	s7 =	sadd.s32 s7, s6;
	s29 =	sshrl.u32 s9, $0x1;
	s11 =	sshll.u32 s11, $0x9  }
0xa: {  	s4 =	sadd.s32 $0x8000, s3;
	s12 =	sadd.s32 s12, s6;
	s13 =	ssub.s32 s9, s29  }
0xb: {  	s30 =	sadd.s32 $0xA00, s7;
	s9 =	sadd.s32 $0x4000, s3;
	s8 =	sshrl.u32 s4, $0x3  }
0xc: {  	s10 =	sadd.s32 s10, s11;
	[dreg:$0x3] =	wrdreg s30;
	s8 =	sadd.s32 s8, s6  }
0xd: {  	v0 =	vlaneseq.u32;
	s11 =	smax.u32 s13, $0x1;
	s13 =	simm.s32 $0x1;
	s31 =	sadd.s32 $0x8A00, s8  }
0xe: {  	v1 =	vor.u32 $0x10, v0;
	s8 =	sadd.s32 $0x800, s12;
	s12 =	simm.s32 $0x600;
	[dreg:$0x4] =	wrdreg s31  }
.LBB2_1:
0xf: {  	s0 =	rddreg [dreg:$0x3]  }
0x10: {  	[tilespmem:s12], [sflag:$0x1] =	stream.linear.gather [hbm4b:s0+s2], $0x4000, $0x38;
	[tilespmem:$0x11A00] =	vst v63  }
0x11: {  	_ =	swait.ge [sflag:s13], $0x4000  }
0x12: {  	[sflag:s13] =	ssyncset.done $0x0  }
0x13: {  	s31 =	rddreg [dreg:$0x4];
	[sflag:s13] =	ssyncadd.s32 $0xFFFFC000  }
0x14: {  	[tilespmem:s14], [sflag:$0x1] =	stream.linear.gather [hbm4b:s31+s2], $0x4000, $0x38;
	[tilespmem:$0x11A00] =	vst v63  }
0x15: {  	_ =	swait.ge [sflag:s13], $0x4000  }
0x16: {  	[sflag:s13] =	ssyncset.done $0x0  }
0x17: {  	[sflag:s13] =	ssyncadd.s32 $0xFFFFC000  }
0x18: {  	[tilespmem:s15], [sflag:$0x1] =	stream.linear.gather [hbm4b:s8+s2], $0x80, $0x38;
	[tilespmem:$0x11A00] =	vst v63  }
0x19: {  	_ =	swait.ge [sflag:s13], $0x80  }
0x1a: {  	s23 =	simm.s32 $0x8600;
	[sflag:s13] =	ssyncset.done $0x0  }
0x1b: {  	s24 =	simm.s32 $0xC600;
	s25 =	simm.s32 $0x0;
	[sflag:s13] =	ssyncadd.s32 $0xFFFFFF80  }
.LBB2_2:
0x1c: {  	s22 =	sshll.u32 s25, $0x9  }
0x1d: {  	s26 =	sor.u32 s3, s22  }
0x1e: {  	s26 =	sshrl.u32 s26, $0x3  }
0x1f: {  	s28 =	simm.s32 $0x0;
	s26 =	sadd.s32 s5, s26  }
0x20: {  	[tilespmem:s28], [sflag:$0x1] =	stream.linear.gather [hbm4b:s26+s28], $0x200, $0x38;
	[tilespmem:$0x11A00] =	vst v63  }
0x21: {  	s31 =	sadd.s32 s9, s22;
	_ =	swait.ge [sflag:s13], $0x200  }
0x22: {  	s26 =	sshrl.u32 s31, $0x3;
	[sflag:s13] =	ssyncset.done $0x0  }
0x23: {  	s26 =	sadd.s32 s5, s26;
	[sflag:s13] =	ssyncadd.s32 $0xFFFFFE00  }
0x24: {  	[tilespmem:s16], [sflag:$0x1] =	stream.linear.gather [hbm4b:s26+s28], $0x200, $0x38;
	[tilespmem:$0x11A00] =	vst v63  }
0x25: {  	s22 =	sor.u32 s4, s22;
	_ =	swait.ge [sflag:s13], $0x200  }
0x26: {  	s22 =	sshrl.u32 s22, $0x3;
	[sflag:s13] =	ssyncset.done $0x0  }
0x27: {  	s22 =	sadd.s32 s5, s22;
	[sflag:s13] =	ssyncadd.s32 $0xFFFFFE00  }
0x28: {  	[tilespmem:s17], [sflag:$0x1] =	stream.linear.gather [hbm4b:s22+s28], $0x200, $0x38;
	[tilespmem:$0x11A00] =	vst v63  }
0x29: {  	_ =	swait.ge [sflag:s13], $0x200  }
0x2a: {  	[sflag:s13] =	ssyncset.done $0x0  }
0x2b: {  	s22 =	simm.s32 $0x0;
	[sflag:s13] =	ssyncadd.s32 $0xFFFFFE00  }
0x2c: {  	v2 =	vld [tilespmem:s22+$0x400]  }
0x2d: {  	v3 =	vld [tilespmem:s22+$0x0]  }
0x2e: {  	v4 =	vld [tilespmem:s22+$0x200];
	_ =	sdelay $0x3  }
0x2f: {  	v3 =	vmul.f32 v3, v3  }
0x30: {  	v5 =	vmul.f32 v2, v2;
	v4 =	vmul.f32 v4, v4;
	_ =	sdelay $0x1  }
0x31: {  	v6 =	vadd.f32 v5, v3;
	v7 =	vadd.f32 v4, v3;
	v3 =	vmov s23  }
0x32: {  	v2 =	vmov s24;
	_ =	sdelay $0x1  }
0x33: {  	s26 =	simm.s32 $0x40;
	v4 =	vadd.f32 v6, v4;
	v5 =	vadd.f32 v5, v7  }
.LBB2_3:
0x34: {  	p0 =	sne.s32 s26, $0x7C0;
	s28 =	smov.u32 s26;
	s26 =	sadd.s32 $0x40, s26  }
0x35: {  	[tilespmem:v3+s22+$0x0 ss:$0x1] =	vst.idx.msk $0xffff, v5  }
0x36: {  	[tilespmem:v2+s22+$0x0 ss:$0x1] =	vst.idx.msk $0xffff, v4;
	s22 =	sshra.s32 s28, $0x2  }
0x37: {  	v4 =	vld [tilespmem:s22+$0x400]  }
0x38: {  	v5 =	vld [tilespmem:s22+$0x0]  }
0x39: {  	v6 =	vld [tilespmem:s22+$0x200];
	_ =	sdelay $0x3  }
0x3a: {  	v7 =	vmul.f32 v4, v4;
	v5 =	vmul.f32 v5, v5  }
.Ltmp0:
0x3b: {  	v4 =	vmul.f32 v6, v6;
	(pc) =	sbr.rel @p0 .LBB2_3-.Ltmp0, $4  }
0x3c: {  	v6 =	vadd.f32 v7, v5  }
0x3d: {  	v5 =	vadd.f32 v4, v5  }
0x3e: {  	v4 =	vadd.f32 v6, v4  }
0x3f: {  	v5 =	vadd.f32 v7, v5  }
0x40: {  	s25 =	sadd.s32 $0x1, s25  }
0x41: {  	p0 =	sne.s32 s25, $0x20  }
.Ltmp1:
0x42: {  	_ = 	snop;
	(pc) =	sbr.rel @p0 .LBB2_2-.Ltmp1, $3  }
0x43: {  	_ =	sdelay $0x1  }
0x44: {  	[tilespmem:v3+s22+$0x0 ss:$0x1] =	vst.idx.msk $0xffff, v5  }
0x45: {  	s24 =	sadd.s32 $0x200, s24;
	s23 =	sadd.s32 $0x200, s23;
	[tilespmem:v2+s22+$0x0 ss:$0x1] =	vst.idx.msk $0xffff, v4;
	s22 =	simm.s32 $0x0  }
.LBB2_5:
0x46: {  	v2 =	vmov s22;
	_ =	sdelay $0x4  }
0x47: {  	v5 =	vld.idx.msk [tilespmem:v2+s15+$0x0], $0xffff;
	_ =	sdelay $0x7  }
0x48: {  	v3 =	vld.idx.msk [tilespmem:v5+s12+$0x0], $0xffff  }
0x49: {  	v4 =	vld.idx.msk [tilespmem:v5+s14+$0x0], $0xffff;
	_ =	sdelay $0x4  }
0x4a: {  	s23 =	simm.s32 $0xF0;
	s24 =	simm.s32 $0x8680;
	s25 =	simm.s32 $0x4680;
	v2 =	vand.u32 $0xFFFF0000, v3;
	v3 =	vshll.u32 v3, $0x10;
	v4 =	vmul.f32 $-2.000000000e+00, v4  }
0x4b: {  	s26 =	simm.s32 $0x680;
	s29 =	simm.s32 $0x0;
	s28 =	simm.s32 $0x0;
	v5 =	vld.idx.msk [tilespmem:v5+s18+$0x0], $0xffff;
	v2 =	vmul.f32 $-2.000000000e+00, v2;
	v3 =	vmul.f32 $-2.000000000e+00, v3  }
.LBB2_6:
0x4c: {  	v6 =	vld [tilespmem:s26+$0xFFFFFF80]  }
0x4d: {  	v7 =	vld [tilespmem:s25+$0xFFFFFF80]  }
0x4e: {  	v8 =	vld [tilespmem:s26+$0xFFFFFF90]  }
0x4f: {  	v10 =	vld [tilespmem:s25+$0xFFFFFF90]  }
0x50: {  	v11 =	vld [tilespmem:s26+$0xFFFFFFA0]  }
0x51: {  	v12 =	vld [tilespmem:s25+$0xFFFFFFA0]  }
0x52: {  	v32 =	vld [tilespmem:s26+$0xFFFFFFB0]  }
0x53: {  	v34 =	vld [tilespmem:s25+$0xFFFFFFB0]  }
0x54: {  	v16 =	vld [tilespmem:s26+$0xFFFFFFC0]  }
0x55: {  	v40 =	vld [tilespmem:s26+$0xFFFFFFD0]  }
0x56: {  	v47 =	vld [tilespmem:s26+$0xFFFFFFE0]  }
0x57: {  	v54 =	vld [tilespmem:s25+$0xFFFFFFF0]  }
0x58: {  	v19 =	vld [tilespmem:s25+$0x0];
	v9 =	vand.u32 $0xFFFF0000, v6;
	v6 =	vshll.u32 v6, $0x10  }
0x59: {  	v51 =	vld [tilespmem:s26+$0xFFFFFFF0];
	v7 =	vmul.f32 v7, v4;
	v31 =	vand.u32 $0xFFFF0000, v8;
	v8 =	vshll.u32 v8, $0x10  }
0x5a: {  	v18 =	vld [tilespmem:s26+$0x0];
	v10 =	vmul.f32 v10, v4;
	v14 =	vand.u32 $0xFFFF0000, v11;
	v11 =	vshll.u32 v11, $0x10  }
0x5b: {  	v36 =	vmul.f32 v12, v4;
	v37 =	vand.u32 $0xFFFF0000, v32;
	v39 =	vmul.f32 v34, v4  }
0x5c: {  	v57 =	vld [tilespmem:s26+$0x10];
	v42 =	vand.u32 $0xFFFF0000, v16;
	v43 =	vshll.u32 v16, $0x10;
	v48 =	vand.u32 $0xFFFF0000, v40  }
0x5d: {  	v62 =	vld [tilespmem:s26+$0x20];
	v52 =	vand.u32 $0xFFFF0000, v47;
	v60 =	vmul.f32 v54, v4;
	v19 =	vmul.f32 v19, v4  }
0x5e: {  	v55 =	vand.u32 $0xFFFF0000, v51;
	v9 =	vmul.f32 v9, v2;
	v6 =	vmul.f32 v6, v3  }
0x5f: {  	v20 =	vand.u32 $0xFFFF0000, v18;
	v8 =	vmul.f32 v8, v3;
	v33 =	vmul.f32 v14, v2  }
0x60: {  	v18 =	vshll.u32 v18, $0x10;
	v11 =	vmul.f32 v11, v3;
	v12 =	vmul.f32 v37, v2  }
0x61: {  	v22 =	vand.u32 $0xFFFF0000, v57;
	v46 =	vmul.f32 v43, v3;
	v16 =	vmul.f32 v48, v2  }
0x62: {  	v38 =	vld [tilespmem:s25+$0xFFFFFFC0];
	v28 =	vand.u32 $0xFFFF0000, v62;
	v20 =	vmul.f32 v20, v2;
	v18 =	vmul.f32 v18, v3  }
0x63: {  	v44 =	vld [tilespmem:s25+$0xFFFFFFD0];
	v30 =	vmul.f32 v28, v2;
	v6 =	vadd.f32 v6, v9;
	v9 =	vshll.u32 v32, $0x10  }
0x64: {  	v29 =	vld [tilespmem:s26+$0x30];
	v61 =	vadd.f32 v18, v20;
	v18 =	vshll.u32 v62, $0x10;
	v9 =	vmul.f32 v9, v3  }
0x65: {  	v13 =	vld [tilespmem:s24+$0xFFFFFF80];
	v18 =	vmul.f32 v18, v3;
	v6 =	vadd.f32 v6, v7;
	v7 =	vmul.f32 v31, v2  }
0x66: {  	v56 =	vmul.f32 v55, v2;
	v25 =	vadd.f32 v61, v19;
	v9 =	vadd.f32 v9, v12  }
0x67: {  	v22 =	vmul.f32 v22, v2;
	v31 =	vld [tilespmem:s26+$0x40];
	v32 =	vadd.f32 v18, v30;
	v7 =	vadd.f32 v8, v7  }
0x68: {  	v12 =	vmul.f32 v44, v4;
	v6 =	vadd.f32 v6, v5;
	v8 =	vadd.f32 v11, v33  }
0x69: {  	v15 =	vld [tilespmem:s24+$0xFFFFFF90];
	v11 =	vmul.f32 v38, v4;
	v38 =	vshll.u32 v29, $0x10;
	v7 =	vadd.f32 v7, v10  }
0x6a: {  	v35 =	vld [tilespmem:s24+$0xFFFFFFA0];
	v6 =	vadd.f32 v6, v13;
	v8 =	vadd.f32 v8, v36;
	v13 =	vshll.u32 v40, $0x10  }
0x6b: {  	v49 =	vld [tilespmem:s25+$0xFFFFFFE0];
	v10 =	vshll.u32 v47, $0x10;
	v36 =	vand.u32 $0xFFFF0000, v29;
	v13 =	vmul.f32 v13, v3  }
0x6c: {  	v10 =	vmul.f32 v10, v3;
	v19 =	vshll.u32 v31, $0x10;
	v7 =	vadd.f32 v7, v5  }
0x6d: {  	vm1 =	vle.f32 v6, $3.999999910e-02;
	v8 =	vadd.f32 v8, v5;
	v19 =	vmul.f32 v19, v3  }
0x6e: {  	v6 =	vmpcnt.ones.xlane vm1;
	v50 =	vadd.f32 v13, v16;
	v16 =	vmul.f32 v52, v2  }
0x6f: {  	v33 =	vld [tilespmem:s26+$0x50];
	v13 =	vshll.u32 v51, $0x10;
	v7 =	vadd.f32 v7, v15;
	v8 =	vadd.f32 v8, v35  }
0x70: {  	v52 =	vld [tilespmem:s26+$0x70];
	v15 =	vmul.f32 v49, v4;
	v13 =	vmul.f32 v13, v3;
	v10 =	vadd.f32 v10, v16  }
0x71: {  	(v2sf) =	vpush v6, $0x0;
	vm0 =	vle.f32 v7, $3.999999910e-02;
	v7 =	vadd.f32 v9, v39  }
0x72: {  	v49 =	vld [tilespmem:s26+$0x60];
	vm2 =	vle.f32 v8, $3.999999910e-02;
	v13 =	vadd.f32 v13, v56;
	v39 =	vand.u32 $0xFFFF0000, v31  }
0x73: {  	v41 =	vld [tilespmem:s24+$0xFFFFFFB0];
	v8 =	vmpcnt.ones.xlane vm2;
	v10 =	vadd.f32 v10, v15;
	v15 =	vmul.f32 v38, v3  }
0x74: {  	v40 =	vld [tilespmem:s25+$0x50];
	v16 =	vmul.f32 v39, v2;
	v45 =	vadd.f32 v7, v5;
	v7 =	vmul.f32 v42, v2  }
0x75: {  	v63 =	vld [tilespmem:s24+$0xFFFFFFF0];
	v13 =	vadd.f32 v13, v60;
	v42 =	vand.u32 $0xFFFF0000, v33;
	v6 =	vand.u32 $0xFFFF0000, v52  }
0x76: {  	v59 =	vld [tilespmem:s25+$0x10];
	v10 =	vadd.f32 v10, v5;
	v43 =	vmul.f32 v42, v2;
	v16 =	vadd.f32 v19, v16  }
0x77: {  	v56 =	vand.u32 $0xFFFF0000, v49;
	v6 =	vmul.f32 v6, v2;
	v9 =	vadd.f32 v46, v7  }
0x78: {  	v7 =	vmpcnt.ones.xlane vm0;
	v14 =	vadd.f32 v45, v41;
	v13 =	vadd.f32 v13, v5  }
0x79: {  	v17 =	vld [tilespmem:s24+$0xFFFFFFC0];
	v46 =	vmul.f32 v40, v4;
	v19 =	vmul.f32 v56, v2;
	v9 =	vadd.f32 v9, v11  }
0x7a: {  	v53 =	vld [tilespmem:s24+$0xFFFFFFD0];
	vm3 =	vle.f32 v14, $3.999999910e-02;
	v11 =	vadd.f32 v50, v12;
	v13 =	vadd.f32 v13, v63  }
0x7b: {  	v58 =	vld [tilespmem:s24+$0xFFFFFFE0];
	v14 =	vmul.f32 v59, v4;
	(v2sf) =	vpush v7, $0x0;
	v12 =	vmpcnt.ones.xlane vm3  }
0x7c: {  	v26 =	vld [tilespmem:s25+$0x20];
	(v2sf) =	vpush v8, $0x0;
	v9 =	vadd.f32 v9, v5;
	vm7 =	vle.f32 v13, $3.999999910e-02  }
0x7d: {  	v24 =	vld [tilespmem:s24+$0x0];
	v11 =	vadd.f32 v11, v5;
	v13 =	vmul.f32 v36, v2;
	v50 =	vmpcnt.ones.xlane vm7  }
0x7e: {  	v34 =	vld [tilespmem:s25+$0x30];
	(v2sf) =	vpush v12, $0x0;
	v9 =	vadd.f32 v9, v17;
	v17 =	vshll.u32 v57, $0x10  }
0x7f: {  	v11 =	vadd.f32 v11, v53;
	v13 =	vadd.f32 v15, v13;
	v17 =	vmul.f32 v17, v3  }
0x80: {  	vm4 =	vle.f32 v9, $3.999999910e-02;
	v9 =	vadd.f32 v10, v58;
	v10 =	vadd.f32 v25, v5  }
0x81: {  	vm5 =	vle.f32 v11, $3.999999910e-02;
	v11 =	vmul.f32 v26, v4;
	v21 =	vmpcnt.ones.xlane vm4  }
0x82: {  	v27 =	vld [tilespmem:s24+$0x10];
	v17 =	vadd.f32 v17, v22;
	v23 =	vmpcnt.ones.xlane vm5;
	v10 =	vadd.f32 v10, v24  }
0x83: {  	v37 =	vld [tilespmem:s25+$0x40];
	vm8 =	vle.f32 v9, $3.999999910e-02;
	v11 =	vadd.f32 v32, v11;
	v9 =	vmul.f32 v34, v4  }
0x84: {  	v41 =	vld [tilespmem:s24+$0x20];
	v14 =	vadd.f32 v17, v14;
	v17 =	vshll.u32 v33, $0x10;
	v47 =	vmpcnt.ones.xlane vm8  }
0x85: {  	(v2sf) =	vpush v21, $0x0;
	vm6 =	vle.f32 v10, $3.999999910e-02;
	v11 =	vadd.f32 v11, v5  }
0x86: {  	v17 =	vmul.f32 v17, v3;
	v9 =	vadd.f32 v13, v9;
	v14 =	vadd.f32 v14, v5  }
0x87: {  	v57 =	vld [tilespmem:s25+$0x70];
	v13 =	vshll.u32 v52, $0x10;
	(v2sf) =	vpush v23, $0x0;
	v53 =	vmpcnt.ones.xlane vm6  }
0x88: {  	v55 =	vld [tilespmem:s25+$0x60];
	(v2sf) =	vpush v47, $0x0;
	v35 =	vadd.f32 v14, v27;
	v14 =	vmul.f32 v37, v4  }
0x89: {  	v24 =	vld [tilespmem:s24+$0x30];
	v7 =	vmul.f32 v13, v3;
	v15 =	vadd.f32 v17, v43;
	v11 =	vadd.f32 v11, v41  }
0x8a: {  	v9 =	vadd.f32 v9, v5;
	v48 =	vadd.f32 v16, v14;
	v14 =	vshll.u32 v49, $0x10  }
0x8b: {  	v61 =	vld [tilespmem:s24+$0x70];
	(v2sf) =	vpush v50, $0x0;
	v6 =	vadd.f32 v7, v6;
	v14 =	vmul.f32 v14, v3  }
0x8c: {  	v44 =	vld [tilespmem:s24+$0x40];
	v7 =	vmul.f32 v57, v4;
	(v2sf) =	vpush v53, $0x0;
	v15 =	vadd.f32 v15, v46  }
0x8d: {  	v45 =	vld [tilespmem:s24+$0x50];
	vm10 =	vle.f32 v11, $3.999999910e-02;
	v11 =	vmul.f32 v55, v4;
	v58 =	vadd.f32 v14, v19  }
0x8e: {  	v59 =	vld [tilespmem:s24+$0x60];
	v9 =	vadd.f32 v9, v24;
	vm9 =	vle.f32 v35, $3.999999910e-02;
	v6 =	vadd.f32 v6, v7  }
0x8f: {  	v60 =	vmpcnt.ones.xlane vm10;
	v51 =	vadd.f32 v48, v5;
	v8 =	vadd.f32 v58, v11  }
0x90: {  	v54 =	vmpcnt.ones.xlane vm9;
	v15 =	vadd.f32 v15, v5;
	v6 =	vadd.f32 v6, v5  }
0x91: {  	vm11 =	vle.f32 v9, $3.999999910e-02;
	v10 =	vadd.f32 v51, v44;
	v8 =	vadd.f32 v8, v5  }
0x92: {  	v7 =	vmpcnt.ones.xlane vm11;
	v15 =	vadd.f32 v15, v45;
	(v2sf) =	vpush v54, $0x0  }
0x93: {  	v6 =	vadd.f32 v6, v61;
	vm12 =	vle.f32 v10, $3.999999910e-02;
	v8 =	vadd.f32 v8, v59  }
0x94: {  	(v2sf) =	vpush v60, $0x0;
	vm14 =	vle.f32 v15, $3.999999910e-02;
	v62 =	vmpcnt.ones.xlane vm12  }
0x95: {  	(v2sf) =	vpush v7, $0x0;
	v63 =	vmpcnt.ones.xlane vm14;
	vm15 =	vle.f32 v8, $3.999999910e-02  }
0x96: {  	vm13 =	vle.f32 v6, $3.999999910e-02;
	(v2sf) =	vpush v62, $0x0;
	v7 =	vmpcnt.ones.xlane vm15  }
0x97: {  	v6 =	vmpcnt.ones.xlane vm13;
	(v2sf) =	vpush v63, $0x0  }
0x98: {  	(v2sf) =	vpush v7, $0x0  }
0x99: {  	s30 =	spop (v2sf);
	(v2sf) =	vpush v6, $0x0  }
0x9a: {  	s30 =	sadd.s32 s29, s30;
	s31 =	spop (v2sf)  }
0x9b: {  	s0 =	sadd.s32 $0xFFFFFF10, s23;
	s1 =	spop (v2sf);
	s31 =	sadd.s32 s30, s31  }
0x9c: {  	s6 =	sadd.s32 $0xFFFFFF20, s23;
	s20 =	spop (v2sf);
	v6 =	vor.u32 s0, v0;
	s0 =	sadd.s32 s31, s1  }
0x9d: {  	s7 =	sadd.s32 $0xFFFFFF30, s23;
	s1 =	spop (v2sf);
	[tilespmem:s29+$0x10680] =	vst.msk vm1, v6;
	v6 =	vor.u32 s6, v0;
	s6 =	sadd.s32 s0, s20  }
0x9e: {  	s20 =	spop (v2sf);
	s29 =	sadd.s32 $0xFFFFFF40, s23;
	[tilespmem:s30+$0x10680] =	vst.msk vm0, v6;
	v6 =	vor.u32 s7, v0;
	s1 =	sadd.s32 s6, s1  }
0x9f: {  	s7 =	spop (v2sf);
	s30 =	sadd.s32 $0xFFFFFF50, s23;
	[tilespmem:s31+$0x10680] =	vst.msk vm2, v6;
	v6 =	vor.u32 s29, v0;
	s20 =	sadd.s32 s1, s20  }
0xa0: {  	s29 =	spop (v2sf);
	s31 =	sadd.s32 $0xFFFFFF60, s23;
	[tilespmem:s0+$0x10680] =	vst.msk vm3, v6;
	v6 =	vor.u32 s30, v0;
	s0 =	sadd.s32 s20, s7  }
0xa1: {  	s7 =	spop (v2sf);
	s30 =	sadd.s32 $0xFFFFFF70, s23;
	[tilespmem:s6+$0x10680] =	vst.msk vm4, v6;
	v6 =	vor.u32 s31, v0;
	s6 =	sadd.s32 s0, s29  }
0xa2: {  	s29 =	spop (v2sf);
	s31 =	sadd.s32 $0xFFFFFF80, s23;
	[tilespmem:s1+$0x10680] =	vst.msk vm5, v6;
	v6 =	vor.u32 s30, v0;
	s1 =	sadd.s32 s6, s7  }
0xa3: {  	s7 =	spop (v2sf);
	s30 =	sadd.s32 $0xFFFFFF90, s23;
	[tilespmem:s20+$0x10680] =	vst.msk vm8, v6;
	v6 =	vor.u32 s31, v0;
	s20 =	sadd.s32 s1, s29  }
0xa4: {  	s29 =	spop (v2sf);
	s31 =	sadd.s32 $0xFFFFFFA0, s23;
	[tilespmem:s0+$0x10680] =	vst.msk vm7, v6;
	v6 =	vor.u32 s30, v0;
	s0 =	sadd.s32 s20, s7  }
0xa5: {  	s30 =	sadd.s32 $0xFFFFFFB0, s23;
	s7 =	spop (v2sf);
	[tilespmem:s6+$0x10680] =	vst.msk vm6, v6;
	v6 =	vor.u32 s31, v0;
	s6 =	sadd.s32 s0, s29  }
0xa6: {  	s31 =	sadd.s32 $0xFFFFFFC0, s23;
	s29 =	spop (v2sf);
	[tilespmem:s1+$0x10680] =	vst.msk vm9, v6;
	v6 =	vor.u32 s30, v0;
	s1 =	sadd.s32 s6, s7  }
0xa7: {  	s30 =	sadd.s32 $0xFFFFFFD0, s23;
	[tilespmem:s20+$0x10680] =	vst.msk vm10, v6;
	v6 =	vor.u32 s31, v0;
	s20 =	sadd.s32 s1, s29;
	s7 =	spop (v2sf)  }
0xa8: {  	s29 =	sadd.s32 $0xFFFFFFE0, s23;
	[tilespmem:s0+$0x10680] =	vst.msk vm11, v6;
	v6 =	vor.u32 s30, v0;
	s0 =	sadd.s32 s20, s7;
	s7 =	spop (v2sf)  }
0xa9: {  	p0 =	sgt.u32 s28, $0x3EF;
	[tilespmem:s6+$0x10680] =	vst.msk vm12, v6;
	v6 =	vor.u32 s29, v0;
	s29 =	sadd.s32 s0, s7  }
0xaa: {  	p1 =	slt.s32 @!p0 s29, $0x20  }
0xab: {  	p0 =	por p0, !p1  }
.Ltmp2:
0xac: {  	_ = 	snop;
	(pc) =	sbr.rel @!p0 .LBB2_6-.Ltmp2, $4  }
0xad: {  	s31 =	sadd.s32 $0xFFFFFFF0, s23  }
0xae: {  	[tilespmem:s1+$0x10680] =	vst.msk vm14, v6;
	v6 =	vor.u32 s31, v0  }
0xaf: {  	s28 =	sadd.s32 $0x10, s28;
	s26 =	sadd.s32 $0x100, s26;
	v7 =	vor.u32 s23, v0;
	[tilespmem:s20+$0x10680] =	vst.msk vm15, v6  }
0xb0: {  	s25 =	sadd.s32 $0x100, s25;
	s24 =	sadd.s32 $0x100, s24;
	s23 =	sadd.s32 $0x100, s23;
	[tilespmem:s0+$0x10680] =	vst.msk vm13, v7  }
0xb1: {  	v2 =	vld.msk [tilespmem:s19+$0x0], $0xffff;
	_ =	sdelay $0x2  }
0xb2: {  	v3 =	vld [tilespmem:$0x10680]  }
0xb3: {  	v4 =	vld [tilespmem:$0x10690];
	p0 =	sgt.s32 s29, $0x0;
	s0 =	sshll.u32 s22, $0x5;
	s22 =	sadd.s32 $0x1, s22  }
0xb4: {  	v2 =	vpsel !p0, $0x4000, v2;
	p0 =	sne.s32 s22, $0x80  }
.Ltmp3:
0xb5: {  	v5 =	vmov s29;
	(pc) =	sbr.rel @p0 .LBB2_5-.Ltmp3, $4  }
0xb6: {  	vm0 =	vgt.s32 v5, v0  }
0xb7: {  	vm15 =	vgt.s32 v5, v1;
	s0 =	sand.u32 $0x3FFFFFE0, s0;
	v3 =	vsel vm0, v3, v2  }
0xb8: {  	v2 =	vsel vm15, v4, v2;
	[tilespmem:s0+$0x10A00] =	vst v3  }
0xb9: {  	[tilespmem:s0+$0x10A10] =	vst v2  }
0xba: {  	s21 =	sadd.s32 $0x1, s21  }
0xbb: {  	p0 =	sne.s32 s21, s11  }
.Ltmp4:
0xbc: {  	s0 =	simm.s32 $0x10A00;
	(pc) =	sbr.rel @p0 .LBB2_1-.Ltmp4, $4  }
0xbd: {  	[hbm4b:s10+s2] =	stream.linear.scatter [tilespmem:s0], [sflag:$0x1], $0x1000, $0x38;
	[tilespmem:$0x11A00] =	vst v63  }
0xbe: {  	_ =	swait.ge [sflag:s13], $0x1000  }
0xbf: {  	[sflag:s13] =	ssyncset.done $0x0  }
0xc0: {  	[sflag:s13] =	ssyncadd.s32 $0xFFFFF000  }
0xc1: {  	_ =	sfence.sel $0x180000  }
0xc2: {  	[bflag:$0x0] =	sbarrier.arrive $0xFFFF  }
0xc3: {  	_ =	strace $0x90000047  }
0xc4: {  	s0 =	stileid.u32;
	[bflag:$0x2] =	sbarrier.arrive $0xFFFF  }
0xc5: {  	p0 =	sne.s32 s0, $0x0;
	s0 =	rddreg [dreg:$0x2]  }
0xc6: {  	s0 =	sadd.s32 @!p0 $0x100000, s0  }
0xc7: {  	[sflag:s0] =	ssyncadd.tile.s32 @!p0 $0x1;
	_ =	shalt  }
.Lfunc_end2:
_tile_overlayer_lowered:
.L_overlay_start_2:
0xc8: {  	(tag) =	ssettag $0x2  }
0xc9: {  	s0 =	rddreg [dreg:$0x0];
	s2 =	stileid.u32  }
0xca: {  	s1 =	rddreg [dreg:$0x1];
	p0 =	sne.s32 s2, $0x0  }
0xcb: {  	s3 =	rddreg [dreg:$0x2];
	[bflag:$0x3] =	sbarrier.arrive $0xFFFF;
	s2 =	simm.s32 @!p0 $0x1C01  }
0xcc: {  	[timem:s3], [sflag:s2] =	dma.local @!p0 [hbm:s0], s1  }
0xcd: {  	s0 =	simm.s32 @!p0 $0x1  }
0xce: {  	_ =	swait.ge @!p0 [sflag:s0], s1  }
0xcf: {  	s1 =	ssub.s32 @!p0 $0x0, s1;
	[sflag:s0] =	ssyncset.done @!p0 $0x0  }
0xd0: {  	[sflag:s0] =	ssyncadd.s32 @!p0 s1  }
0xd1: {  	[bflag:$0x3] =	sbarrier.arrive $0xFFFF  }
0xd2: {  	_ =	shalt  }

</sc_bundles>
